<compile_context>
chip_gen: v7x
topology: tpu7x:2x2x1
jax: 0.10.2.dev20260603
libtpu: 0.0.44.dev20260713+nightly
codegen_flags: <defaults>
</compile_context>

<pallas_src>
import functools

import jax
import jax.numpy as jnp
from jax import lax
from jax.experimental import pallas as pl
from jax.experimental.pallas import tpu as pltpu
from jax.experimental.pallas import tpu_sc as plsc

_NC = 2
_NS = 16
_NW = _NC * _NS


def _tc_copy_kernel(x_ref, a_ref):
    a_ref[...] = x_ref[...]


def _tc_copy(x):
    B, S, D = x.shape
    BB = 4
    blk = (BB, S, D)
    spec = pl.BlockSpec(blk, lambda i: (i, 0, 0))
    return pl.pallas_call(
        _tc_copy_kernel,
        grid=(B // BB,),
        in_specs=[spec],
        out_specs=spec,
        out_shape=jax.ShapeDtypeStruct(x.shape, x.dtype),
        compiler_params=pltpu.CompilerParams(
            dimension_semantics=("parallel",),
        ),
    )(x)


def _sc_copy(xf):
    R, D = xf.shape
    rows_per_w = R // _NW
    n_chunks = 8
    rows_per_chunk = rows_per_w // n_chunks

    mesh = plsc.VectorSubcoreMesh(core_axis_name="c", subcore_axis_name="s")

    @functools.partial(
        pl.kernel,
        mesh=mesh,
        out_type=jax.ShapeDtypeStruct((R, D), xf.dtype),
        scratch_types=[
            pltpu.VMEM((2, rows_per_chunk, D), xf.dtype),
            pltpu.SemaphoreType.DMA,
            pltpu.SemaphoreType.DMA,
        ],
    )
    def sc_copy_b(x_hbm, b_hbm, buf, in_sem, out_sem):
        wid = lax.axis_index("s") * _NC + lax.axis_index("c")
        base = wid * rows_per_w

        def sl(c):
            return pl.ds(base + c * rows_per_chunk, rows_per_chunk)

        ins = [
            pltpu.make_async_copy(x_hbm.at[sl(c)], buf.at[c % 2], in_sem)
            for c in range(n_chunks)
        ]
        outs = [
            pltpu.make_async_copy(buf.at[c % 2], b_hbm.at[sl(c)], out_sem)
            for c in range(n_chunks)
        ]
        ins[0].start()
        for c in range(n_chunks):
            if c + 1 < n_chunks:
                if c >= 1:
                    outs[c - 1].wait()
                ins[c + 1].start()
            ins[c].wait()
            outs[c].start()
        outs[n_chunks - 2].wait()
        outs[n_chunks - 1].wait()

    return sc_copy_b(xf)


def kernel(x, mask):
    B, S, D = x.shape
    a = _tc_copy(x)
    b = _sc_copy(x.reshape(B * S, D))
    return (a, b.reshape(B, S, D))

# --- scband reference (transcript-rebuilt; emitter-appended) ---
"""Pipeline reference for scband-multi-view-augmenter-85306640433454 (READ-ONLY COPY).

The authoritative reference and input builder live on the scoring server;
editing this copy changes nothing except your own understanding.
"""

import jax, jax.numpy as jnp
import numpy as np


def setup_inputs(seed: int = 0) -> dict:
    key = jax.random.key(seed)
    k1, k2 = jax.random.split(key)
    x = jax.random.normal(k1, (16, 4096, 128), dtype=jnp.float32)
    mask = jnp.ones((16, 4096), dtype=jnp.float32)
    return {"x": x, "mask": mask}


def reference(x, mask):
    # Faithful translation of MultiViewAugmenter.forward in eval mode
    # (self.training == False, the deterministic branch):
    #   view_a = x  (ConstellationAugmenter bypassed)
    #   view_b = x  (ghost masking bypassed)
    view_a = x
    view_b = x
    return (view_a, view_b)

if __name__ == "__main__":
    import jax
    _d = setup_inputs()
    print(jax.jit(kernel)(*tuple(_d.values())))

</pallas_src>

<mosaic_0001>
#map = affine_map<(d0, d1) -> (0, 0)>
module attributes {stable_mosaic.version = 14 : i64} {
  func.func @sc_copy_b(%arg0: i32, %arg1: i32, %arg2: memref<65536x128xf32, #tpu.memory_space<hbm>>, %arg3: memref<65536x128xf32, #tpu.memory_space<hbm>>, %arg4: memref<2x256x128xf32, #tpu.memory_space<vmem>>, %arg5: memref<!tpu.dma_semaphore, #tpu.memory_space<semaphore_mem>>, %arg6: memref<!tpu.dma_semaphore, #tpu.memory_space<semaphore_mem>>) attributes {dimension_semantics = [#tpu.dimension_semantics<core_parallel>, #tpu.dimension_semantics<subcore_parallel>], iteration_bounds = array<i64: 2, 16>, scalar_prefetch = 0 : i64, scratch_operands = 3 : i64, tpu.core_type = #tpu.core_type<sc_vector_subcore>, window_params = [{transform_indices = #map}, {transform_indices = #map}]} {
    %mul3A = arith.constant 2 : i32
    %mul3A_0 = arith.muli %arg1, %mul3A : i32
    %add3A = arith.addi %mul3A_0, %arg0 : i32
    %mul3A_1 = arith.constant 2048 : i32
    %mul3A_2 = arith.muli %add3A, %mul3A_1 : i32
    %add3A_3 = arith.constant 0 : i32
    %add3A_4 = arith.addi %mul3A_2, %add3A_3 : i32
    %add3A_5 = arith.constant 256 : i32
    %add3A_6 = arith.addi %mul3A_2, %add3A_5 : i32
    %add3A_7 = arith.constant 512 : i32
    %add3A_8 = arith.addi %mul3A_2, %add3A_7 : i32
    %add3A_9 = arith.constant 768 : i32
    %add3A_10 = arith.addi %mul3A_2, %add3A_9 : i32
    %add3A_11 = arith.constant 1024 : i32
    %add3A_12 = arith.addi %mul3A_2, %add3A_11 : i32
    %add3A_13 = arith.constant 1280 : i32
    %add3A_14 = arith.addi %mul3A_2, %add3A_13 : i32
    %add3A_15 = arith.constant 1536 : i32
    %add3A_16 = arith.addi %mul3A_2, %add3A_15 : i32
    %add3A_17 = arith.constant 1792 : i32
    %add3A_18 = arith.addi %mul3A_2, %add3A_17 : i32
    %add3A_19 = arith.constant 0 : i32
    %add3A_20 = arith.addi %mul3A_2, %add3A_19 : i32
    %add3A_21 = arith.constant 256 : i32
    %add3A_22 = arith.addi %mul3A_2, %add3A_21 : i32
    %add3A_23 = arith.constant 512 : i32
    %add3A_24 = arith.addi %mul3A_2, %add3A_23 : i32
    %add3A_25 = arith.constant 768 : i32
    %add3A_26 = arith.addi %mul3A_2, %add3A_25 : i32
    %add3A_27 = arith.constant 1024 : i32
    %add3A_28 = arith.addi %mul3A_2, %add3A_27 : i32
    %add3A_29 = arith.constant 1280 : i32
    %add3A_30 = arith.addi %mul3A_2, %add3A_29 : i32
    %add3A_31 = arith.constant 1536 : i32
    %add3A_32 = arith.addi %mul3A_2, %add3A_31 : i32
    %add3A_33 = arith.constant 1792 : i32
    %add3A_34 = arith.addi %mul3A_2, %add3A_33 : i32
    %dma_start3A = arith.constant 0 : i32
    %dma_start3A_35 = arith.constant 0 : i32
    %dma_start3A_36 = arith.constant 0 : i32
    %dma_start3A_37 = tpu.memref_slice %arg4[%dma_start3A, %dma_start3A_35, %dma_start3A_36] : memref<2x256x128xf32, #tpu.memory_space<vmem>> -> memref<1x256x128xf32, #tpu.memory_space<vmem>>
    %dma_start3A_38 = tpu.memref_squeeze %dma_start3A_37 : memref<1x256x128xf32, #tpu.memory_space<vmem>> -> memref<256x128xf32, #tpu.memory_space<vmem>>
    %dma_start3A_39 = arith.constant 0 : i32
    %dma_start3A_40 = tpu.memref_slice %arg2[%add3A_4, %dma_start3A_39] : memref<65536x128xf32, #tpu.memory_space<hbm>> -> memref<256x128xf32, #tpu.memory_space<hbm>>
    %dma_start3A_41 = arith.constant 0 : i32
    %dma_start3A_42 = arith.constant 0 : i32
    %dma_start3A_43 = tpu.memref_slice %arg4[%dma_start3A, %dma_start3A_41, %dma_start3A_42] : memref<2x256x128xf32, #tpu.memory_space<vmem>> -> memref<1x256x128xf32, #tpu.memory_space<vmem>>
    %dma_start3A_44 = tpu.memref_squeeze %dma_start3A_43 : memref<1x256x128xf32, #tpu.memory_space<vmem>> -> memref<256x128xf32, #tpu.memory_space<vmem>>
    %dma_start3A_45 = arith.constant 0 : i32
    %dma_start3A_46 = tpu.memref_slice %arg2[%add3A_4, %dma_start3A_45] : memref<65536x128xf32, #tpu.memory_space<hbm>> -> memref<256x128xf32, #tpu.memory_space<hbm>>
    tpu.enqueue_dma source(%dma_start3A_46 : memref<256x128xf32, #tpu.memory_space<hbm>>) target(%dma_start3A_44 : memref<256x128xf32, #tpu.memory_space<vmem>>) target_semaphore(%arg5 : memref<!tpu.dma_semaphore, #tpu.memory_space<semaphore_mem>>)
    %dma_start3A_47 = arith.constant 1 : i32
    %dma_start3A_48 = arith.constant 0 : i32
    %dma_start3A_49 = arith.constant 0 : i32
    %dma_start3A_50 = tpu.memref_slice %arg4[%dma_start3A_47, %dma_start3A_48, %dma_start3A_49] : memref<2x256x128xf32, #tpu.memory_space<vmem>> -> memref<1x256x128xf32, #tpu.memory_space<vmem>>
    %dma_start3A_51 = tpu.memref_squeeze %dma_start3A_50 : memref<1x256x128xf32, #tpu.memory_space<vmem>> -> memref<256x128xf32, #tpu.memory_space<vmem>>
    %dma_start3A_52 = arith.constant 0 : i32
    %dma_start3A_53 = tpu.memref_slice %arg2[%add3A_6, %dma_start3A_52] : memref<65536x128xf32, #tpu.memory_space<hbm>> -> memref<256x128xf32, #tpu.memory_space<hbm>>
    %dma_start3A_54 = arith.constant 0 : i32
    %dma_start3A_55 = arith.constant 0 : i32
    %dma_start3A_56 = tpu.memref_slice %arg4[%dma_start3A_47, %dma_start3A_54, %dma_start3A_55] : memref<2x256x128xf32, #tpu.memory_space<vmem>> -> memref<1x256x128xf32, #tpu.memory_space<vmem>>
    %dma_start3A_57 = tpu.memref_squeeze %dma_start3A_56 : memref<1x256x128xf32, #tpu.memory_space<vmem>> -> memref<256x128xf32, #tpu.memory_space<vmem>>
    %dma_start3A_58 = arith.constant 0 : i32
    %dma_start3A_59 = tpu.memref_slice %arg2[%add3A_6, %dma_start3A_58] : memref<65536x128xf32, #tpu.memory_space<hbm>> -> memref<256x128xf32, #tpu.memory_space<hbm>>
    tpu.enqueue_dma source(%dma_start3A_59 : memref<256x128xf32, #tpu.memory_space<hbm>>) target(%dma_start3A_57 : memref<256x128xf32, #tpu.memory_space<vmem>>) target_semaphore(%arg5 : memref<!tpu.dma_semaphore, #tpu.memory_space<semaphore_mem>>)
    %dma_wait3A = arith.constant 0 : i32
    %dma_wait3A_60 = arith.constant 0 : i32
    %dma_wait3A_61 = arith.constant 0 : i32
    %dma_wait3A_62 = tpu.memref_slice %arg4[%dma_wait3A, %dma_wait3A_60, %dma_wait3A_61] : memref<2x256x128xf32, #tpu.memory_space<vmem>> -> memref<1x256x128xf32, #tpu.memory_space<vmem>>
    %dma_wait3A_63 = tpu.memref_squeeze %dma_wait3A_62 : memref<1x256x128xf32, #tpu.memory_space<vmem>> -> memref<256x128xf32, #tpu.memory_space<vmem>>
    %dma_wait3A_64 = arith.constant 0 : i32
    %dma_wait3A_65 = tpu.memref_slice %arg2[%add3A_4, %dma_wait3A_64] : memref<65536x128xf32, #tpu.memory_space<hbm>> -> memref<256x128xf32, #tpu.memory_space<hbm>>
    %dma_wait3A_66 = arith.constant 0 : i32
    %dma_wait3A_67 = arith.constant 0 : i32
    %dma_wait3A_68 = tpu.memref_slice %arg4[%dma_wait3A, %dma_wait3A_66, %dma_wait3A_67] : memref<2x256x128xf32, #tpu.memory_space<vmem>> -> memref<1x256x128xf32, #tpu.memory_space<vmem>>
    %dma_wait3A_69 = tpu.memref_squeeze %dma_wait3A_68 : memref<1x256x128xf32, #tpu.memory_space<vmem>> -> memref<256x128xf32, #tpu.memory_space<vmem>>
    %dma_wait3A_70 = arith.constant 0 : i32
    %dma_wait3A_71 = tpu.memref_slice %arg2[%add3A_4, %dma_wait3A_70] : memref<65536x128xf32, #tpu.memory_space<hbm>> -> memref<256x128xf32, #tpu.memory_space<hbm>>
    tpu.wait_dma2 semaphore(%arg5 : memref<!tpu.dma_semaphore, #tpu.memory_space<semaphore_mem>>) src(%dma_wait3A_71 : memref<256x128xf32, #tpu.memory_space<hbm>>) dst(%dma_wait3A_69 : memref<256x128xf32, #tpu.memory_space<vmem>>)
    %dma_start3A_72 = arith.constant 0 : i32
    %dma_start3A_73 = arith.constant 0 : i32
    %dma_start3A_74 = arith.constant 0 : i32
    %dma_start3A_75 = tpu.memref_slice %arg4[%dma_start3A_72, %dma_start3A_73, %dma_start3A_74] : memref<2x256x128xf32, #tpu.memory_space<vmem>> -> memref<1x256x128xf32, #tpu.memory_space<vmem>>
    %dma_start3A_76 = tpu.memref_squeeze %dma_start3A_75 : memref<1x256x128xf32, #tpu.memory_space<vmem>> -> memref<256x128xf32, #tpu.memory_space<vmem>>
    %dma_start3A_77 = arith.constant 0 : i32
    %dma_start3A_78 = tpu.memref_slice %arg3[%add3A_20, %dma_start3A_77] : memref<65536x128xf32, #tpu.memory_space<hbm>> -> memref<256x128xf32, #tpu.memory_space<hbm>>
    %dma_start3A_79 = arith.constant 0 : i32
    %dma_start3A_80 = tpu.memref_slice %arg3[%add3A_20, %dma_start3A_79] : memref<65536x128xf32, #tpu.memory_space<hbm>> -> memref<256x128xf32, #tpu.memory_space<hbm>>
    %dma_start3A_81 = arith.constant 0 : i32
    %dma_start3A_82 = arith.constant 0 : i32
    %dma_start3A_83 = tpu.memref_slice %arg4[%dma_start3A_72, %dma_start3A_81, %dma_start3A_82] : memref<2x256x128xf32, #tpu.memory_space<vmem>> -> memref<1x256x128xf32, #tpu.memory_space<vmem>>
    %dma_start3A_84 = tpu.memref_squeeze %dma_start3A_83 : memref<1x256x128xf32, #tpu.memory_space<vmem>> -> memref<256x128xf32, #tpu.memory_space<vmem>>
    tpu.enqueue_dma source(%dma_start3A_84 : memref<256x128xf32, #tpu.memory_space<vmem>>) target(%dma_start3A_80 : memref<256x128xf32, #tpu.memory_space<hbm>>) target_semaphore(%arg6 : memref<!tpu.dma_semaphore, #tpu.memory_space<semaphore_mem>>)
    %dma_wait3A_85 = arith.constant 0 : i32
    %dma_wait3A_86 = arith.constant 0 : i32
    %dma_wait3A_87 = arith.constant 0 : i32
    %dma_wait3A_88 = tpu.memref_slice %arg4[%dma_wait3A_85, %dma_wait3A_86, %dma_wait3A_87] : memref<2x256x128xf32, #tpu.memory_space<vmem>> -> memref<1x256x128xf32, #tpu.memory_space<vmem>>
    %dma_wait3A_89 = tpu.memref_squeeze %dma_wait3A_88 : memref<1x256x128xf32, #tpu.memory_space<vmem>> -> memref<256x128xf32, #tpu.memory_space<vmem>>
    %dma_wait3A_90 = arith.constant 0 : i32
    %dma_wait3A_91 = tpu.memref_slice %arg3[%add3A_20, %dma_wait3A_90] : memref<65536x128xf32, #tpu.memory_space<hbm>> -> memref<256x128xf32, #tpu.memory_space<hbm>>
    %dma_wait3A_92 = arith.constant 0 : i32
    %dma_wait3A_93 = tpu.memref_slice %arg3[%add3A_20, %dma_wait3A_92] : memref<65536x128xf32, #tpu.memory_space<hbm>> -> memref<256x128xf32, #tpu.memory_space<hbm>>
    %dma_wait3A_94 = arith.constant 0 : i32
    %dma_wait3A_95 = arith.constant 0 : i32
    %dma_wait3A_96 = tpu.memref_slice %arg4[%dma_wait3A_85, %dma_wait3A_94, %dma_wait3A_95] : memref<2x256x128xf32, #tpu.memory_space<vmem>> -> memref<1x256x128xf32, #tpu.memory_space<vmem>>
    %dma_wait3A_97 = tpu.memref_squeeze %dma_wait3A_96 : memref<1x256x128xf32, #tpu.memory_space<vmem>> -> memref<256x128xf32, #tpu.memory_space<vmem>>
    tpu.wait_dma2 semaphore(%arg6 : memref<!tpu.dma_semaphore, #tpu.memory_space<semaphore_mem>>) src(%dma_wait3A_97 : memref<256x128xf32, #tpu.memory_space<vmem>>) dst(%dma_wait3A_93 : memref<256x128xf32, #tpu.memory_space<hbm>>)
    %dma_start3A_98 = arith.constant 0 : i32
    %dma_start3A_99 = arith.constant 0 : i32
    %dma_start3A_100 = arith.constant 0 : i32
    %dma_start3A_101 = tpu.memref_slice %arg4[%dma_start3A_98, %dma_start3A_99, %dma_start3A_100] : memref<2x256x128xf32, #tpu.memory_space<vmem>> -> memref<1x256x128xf32, #tpu.memory_space<vmem>>
    %dma_start3A_102 = tpu.memref_squeeze %dma_start3A_101 : memref<1x256x128xf32, #tpu.memory_space<vmem>> -> memref<256x128xf32, #tpu.memory_space<vmem>>
    %dma_start3A_103 = arith.constant 0 : i32
    %dma_start3A_104 = tpu.memref_slice %arg2[%add3A_8, %dma_start3A_103] : memref<65536x128xf32, #tpu.memory_space<hbm>> -> memref<256x128xf32, #tpu.memory_space<hbm>>
    %dma_start3A_105 = arith.constant 0 : i32
    %dma_start3A_106 = arith.constant 0 : i32
    %dma_start3A_107 = tpu.memref_slice %arg4[%dma_start3A_98, %dma_start3A_105, %dma_start3A_106] : memref<2x256x128xf32, #tpu.memory_space<vmem>> -> memref<1x256x128xf32, #tpu.memory_space<vmem>>
    %dma_start3A_108 = tpu.memref_squeeze %dma_start3A_107 : memref<1x256x128xf32, #tpu.memory_space<vmem>> -> memref<256x128xf32, #tpu.memory_space<vmem>>
    %dma_start3A_109 = arith.constant 0 : i32
    %dma_start3A_110 = tpu.memref_slice %arg2[%add3A_8, %dma_start3A_109] : memref<65536x128xf32, #tpu.memory_space<hbm>> -> memref<256x128xf32, #tpu.memory_space<hbm>>
    tpu.enqueue_dma source(%dma_start3A_110 : memref<256x128xf32, #tpu.memory_space<hbm>>) target(%dma_start3A_108 : memref<256x128xf32, #tpu.memory_space<vmem>>) target_semaphore(%arg5 : memref<!tpu.dma_semaphore, #tpu.memory_space<semaphore_mem>>)
    %dma_wait3A_111 = arith.constant 1 : i32
    %dma_wait3A_112 = arith.constant 0 : i32
    %dma_wait3A_113 = arith.constant 0 : i32
    %dma_wait3A_114 = tpu.memref_slice %arg4[%dma_wait3A_111, %dma_wait3A_112, %dma_wait3A_113] : memref<2x256x128xf32, #tpu.memory_space<vmem>> -> memref<1x256x128xf32, #tpu.memory_space<vmem>>
    %dma_wait3A_115 = tpu.memref_squeeze %dma_wait3A_114 : memref<1x256x128xf32, #tpu.memory_space<vmem>> -> memref<256x128xf32, #tpu.memory_space<vmem>>
    %dma_wait3A_116 = arith.constant 0 : i32
    %dma_wait3A_117 = tpu.memref_slice %arg2[%add3A_6, %dma_wait3A_116] : memref<65536x128xf32, #tpu.memory_space<hbm>> -> memref<256x128xf32, #tpu.memory_space<hbm>>
    %dma_wait3A_118 = arith.constant 0 : i32
    %dma_wait3A_119 = arith.constant 0 : i32
    %dma_wait3A_120 = tpu.memref_slice %arg4[%dma_wait3A_111, %dma_wait3A_118, %dma_wait3A_119] : memref<2x256x128xf32, #tpu.memory_space<vmem>> -> memref<1x256x128xf32, #tpu.memory_space<vmem>>
    %dma_wait3A_121 = tpu.memref_squeeze %dma_wait3A_120 : memref<1x256x128xf32, #tpu.memory_space<vmem>> -> memref<256x128xf32, #tpu.memory_space<vmem>>
    %dma_wait3A_122 = arith.constant 0 : i32
    %dma_wait3A_123 = tpu.memref_slice %arg2[%add3A_6, %dma_wait3A_122] : memref<65536x128xf32, #tpu.memory_space<hbm>> -> memref<256x128xf32, #tpu.memory_space<hbm>>
    tpu.wait_dma2 semaphore(%arg5 : memref<!tpu.dma_semaphore, #tpu.memory_space<semaphore_mem>>) src(%dma_wait3A_123 : memref<256x128xf32, #tpu.memory_space<hbm>>) dst(%dma_wait3A_121 : memref<256x128xf32, #tpu.memory_space<vmem>>)
    %dma_start3A_124 = arith.constant 1 : i32
    %dma_start3A_125 = arith.constant 0 : i32
    %dma_start3A_126 = arith.constant 0 : i32
    %dma_start3A_127 = tpu.memref_slice %arg4[%dma_start3A_124, %dma_start3A_125, %dma_start3A_126] : memref<2x256x128xf32, #tpu.memory_space<vmem>> -> memref<1x256x128xf32, #tpu.memory_space<vmem>>
    %dma_start3A_128 = tpu.memref_squeeze %dma_start3A_127 : memref<1x256x128xf32, #tpu.memory_space<vmem>> -> memref<256x128xf32, #tpu.memory_space<vmem>>
    %dma_start3A_129 = arith.constant 0 : i32
    %dma_start3A_130 = tpu.memref_slice %arg3[%add3A_22, %dma_start3A_129] : memref<65536x128xf32, #tpu.memory_space<hbm>> -> memref<256x128xf32, #tpu.memory_space<hbm>>
    %dma_start3A_131 = arith.constant 0 : i32
    %dma_start3A_132 = tpu.memref_slice %arg3[%add3A_22, %dma_start3A_131] : memref<65536x128xf32, #tpu.memory_space<hbm>> -> memref<256x128xf32, #tpu.memory_space<hbm>>
    %dma_start3A_133 = arith.constant 0 : i32
    %dma_start3A_134 = arith.constant 0 : i32
    %dma_start3A_135 = tpu.memref_slice %arg4[%dma_start3A_124, %dma_start3A_133, %dma_start3A_134] : memref<2x256x128xf32, #tpu.memory_space<vmem>> -> memref<1x256x128xf32, #tpu.memory_space<vmem>>
    %dma_start3A_136 = tpu.memref_squeeze %dma_start3A_135 : memref<1x256x128xf32, #tpu.memory_space<vmem>> -> memref<256x128xf32, #tpu.memory_space<vmem>>
    tpu.enqueue_dma source(%dma_start3A_136 : memref<256x128xf32, #tpu.memory_space<vmem>>) target(%dma_start3A_132 : memref<256x128xf32, #tpu.memory_space<hbm>>) target_semaphore(%arg6 : memref<!tpu.dma_semaphore, #tpu.memory_space<semaphore_mem>>)
    %dma_wait3A_137 = arith.constant 1 : i32
    %dma_wait3A_138 = arith.constant 0 : i32
    %dma_wait3A_139 = arith.constant 0 : i32
    %dma_wait3A_140 = tpu.memref_slice %arg4[%dma_wait3A_137, %dma_wait3A_138, %dma_wait3A_139] : memref<2x256x128xf32, #tpu.memory_space<vmem>> -> memref<1x256x128xf32, #tpu.memory_space<vmem>>
    %dma_wait3A_141 = tpu.memref_squeeze %dma_wait3A_140 : memref<1x256x128xf32, #tpu.memory_space<vmem>> -> memref<256x128xf32, #tpu.memory_space<vmem>>
    %dma_wait3A_142 = arith.constant 0 : i32
    %dma_wait3A_143 = tpu.memref_slice %arg3[%add3A_22, %dma_wait3A_142] : memref<65536x128xf32, #tpu.memory_space<hbm>> -> memref<256x128xf32, #tpu.memory_space<hbm>>
    %dma_wait3A_144 = arith.constant 0 : i32
    %dma_wait3A_145 = tpu.memref_slice %arg3[%add3A_22, %dma_wait3A_144] : memref<65536x128xf32, #tpu.memory_space<hbm>> -> memref<256x128xf32, #tpu.memory_space<hbm>>
    %dma_wait3A_146 = arith.constant 0 : i32
    %dma_wait3A_147 = arith.constant 0 : i32
    %dma_wait3A_148 = tpu.memref_slice %arg4[%dma_wait3A_137, %dma_wait3A_146, %dma_wait3A_147] : memref<2x256x128xf32, #tpu.memory_space<vmem>> -> memref<1x256x128xf32, #tpu.memory_space<vmem>>
    %dma_wait3A_149 = tpu.memref_squeeze %dma_wait3A_148 : memref<1x256x128xf32, #tpu.memory_space<vmem>> -> memref<256x128xf32, #tpu.memory_space<vmem>>
    tpu.wait_dma2 semaphore(%arg6 : memref<!tpu.dma_semaphore, #tpu.memory_space<semaphore_mem>>) src(%dma_wait3A_149 : memref<256x128xf32, #tpu.memory_space<vmem>>) dst(%dma_wait3A_145 : memref<256x128xf32, #tpu.memory_space<hbm>>)
    %dma_start3A_150 = arith.constant 1 : i32
    %dma_start3A_151 = arith.constant 0 : i32
    %dma_start3A_152 = arith.constant 0 : i32
    %dma_start3A_153 = tpu.memref_slice %arg4[%dma_start3A_150, %dma_start3A_151, %dma_start3A_152] : memref<2x256x128xf32, #tpu.memory_space<vmem>> -> memref<1x256x128xf32, #tpu.memory_space<vmem>>
    %dma_start3A_154 = tpu.memref_squeeze %dma_start3A_153 : memref<1x256x128xf32, #tpu.memory_space<vmem>> -> memref<256x128xf32, #tpu.memory_space<vmem>>
    %dma_start3A_155 = arith.constant 0 : i32
    %dma_start3A_156 = tpu.memref_slice %arg2[%add3A_10, %dma_start3A_155] : memref<65536x128xf32, #tpu.memory_space<hbm>> -> memref<256x128xf32, #tpu.memory_space<hbm>>
    %dma_start3A_157 = arith.constant 0 : i32
    %dma_start3A_158 = arith.constant 0 : i32
    %dma_start3A_159 = tpu.memref_slice %arg4[%dma_start3A_150, %dma_start3A_157, %dma_start3A_158] : memref<2x256x128xf32, #tpu.memory_space<vmem>> -> memref<1x256x128xf32, #tpu.memory_space<vmem>>
    %dma_start3A_160 = tpu.memref_squeeze %dma_start3A_159 : memref<1x256x128xf32, #tpu.memory_space<vmem>> -> memref<256x128xf32, #tpu.memory_space<vmem>>
    %dma_start3A_161 = arith.constant 0 : i32
    %dma_start3A_162 = tpu.memref_slice %arg2[%add3A_10, %dma_start3A_161] : memref<65536x128xf32, #tpu.memory_space<hbm>> -> memref<256x128xf32, #tpu.memory_space<hbm>>
    tpu.enqueue_dma source(%dma_start3A_162 : memref<256x128xf32, #tpu.memory_space<hbm>>) target(%dma_start3A_160 : memref<256x128xf32, #tpu.memory_space<vmem>>) target_semaphore(%arg5 : memref<!tpu.dma_semaphore, #tpu.memory_space<semaphore_mem>>)
    %dma_wait3A_163 = arith.constant 0 : i32
    %dma_wait3A_164 = arith.constant 0 : i32
    %dma_wait3A_165 = arith.constant 0 : i32
    %dma_wait3A_166 = tpu.memref_slice %arg4[%dma_wait3A_163, %dma_wait3A_164, %dma_wait3A_165] : memref<2x256x128xf32, #tpu.memory_space<vmem>> -> memref<1x256x128xf32, #tpu.memory_space<vmem>>
    %dma_wait3A_167 = tpu.memref_squeeze %dma_wait3A_166 : memref<1x256x128xf32, #tpu.memory_space<vmem>> -> memref<256x128xf32, #tpu.memory_space<vmem>>
    %dma_wait3A_168 = arith.constant 0 : i32
    %dma_wait3A_169 = tpu.memref_slice %arg2[%add3A_8, %dma_wait3A_168] : memref<65536x128xf32, #tpu.memory_space<hbm>> -> memref<256x128xf32, #tpu.memory_space<hbm>>
    %dma_wait3A_170 = arith.constant 0 : i32
    %dma_wait3A_171 = arith.constant 0 : i32
    %dma_wait3A_172 = tpu.memref_slice %arg4[%dma_wait3A_163, %dma_wait3A_170, %dma_wait3A_171] : memref<2x256x128xf32, #tpu.memory_space<vmem>> -> memref<1x256x128xf32, #tpu.memory_space<vmem>>
    %dma_wait3A_173 = tpu.memref_squeeze %dma_wait3A_172 : memref<1x256x128xf32, #tpu.memory_space<vmem>> -> memref<256x128xf32, #tpu.memory_space<vmem>>
    %dma_wait3A_174 = arith.constant 0 : i32
    %dma_wait3A_175 = tpu.memref_slice %arg2[%add3A_8, %dma_wait3A_174] : memref<65536x128xf32, #tpu.memory_space<hbm>> -> memref<256x128xf32, #tpu.memory_space<hbm>>
    tpu.wait_dma2 semaphore(%arg5 : memref<!tpu.dma_semaphore, #tpu.memory_space<semaphore_mem>>) src(%dma_wait3A_175 : memref<256x128xf32, #tpu.memory_space<hbm>>) dst(%dma_wait3A_173 : memref<256x128xf32, #tpu.memory_space<vmem>>)
    %dma_start3A_176 = arith.constant 0 : i32
    %dma_start3A_177 = arith.constant 0 : i32
    %dma_start3A_178 = arith.constant 0 : i32
    %dma_start3A_179 = tpu.memref_slice %arg4[%dma_start3A_176, %dma_start3A_177, %dma_start3A_178] : memref<2x256x128xf32, #tpu.memory_space<vmem>> -> memref<1x256x128xf32, #tpu.memory_space<vmem>>
    %dma_start3A_180 = tpu.memref_squeeze %dma_start3A_179 : memref<1x256x128xf32, #tpu.memory_space<vmem>> -> memref<256x128xf32, #tpu.memory_space<vmem>>
    %dma_start3A_181 = arith.constant 0 : i32
    %dma_start3A_182 = tpu.memref_slice %arg3[%add3A_24, %dma_start3A_181] : memref<65536x128xf32, #tpu.memory_space<hbm>> -> memref<256x128xf32, #tpu.memory_space<hbm>>
    %dma_start3A_183 = arith.constant 0 : i32
    %dma_start3A_184 = tpu.memref_slice %arg3[%add3A_24, %dma_start3A_183] : memref<65536x128xf32, #tpu.memory_space<hbm>> -> memref<256x128xf32, #tpu.memory_space<hbm>>
    %dma_start3A_185 = arith.constant 0 : i32
    %dma_start3A_186 = arith.constant 0 : i32
    %dma_start3A_187 = tpu.memref_slice %arg4[%dma_start3A_176, %dma_start3A_185, %dma_start3A_186] : memref<2x256x128xf32, #tpu.memory_space<vmem>> -> memref<1x256x128xf32, #tpu.memory_space<vmem>>
    %dma_start3A_188 = tpu.memref_squeeze %dma_start3A_187 : memref<1x256x128xf32, #tpu.memory_space<vmem>> -> memref<256x128xf32, #tpu.memory_space<vmem>>
    tpu.enqueue_dma source(%dma_start3A_188 : memref<256x128xf32, #tpu.memory_space<vmem>>) target(%dma_start3A_184 : memref<256x128xf32, #tpu.memory_space<hbm>>) target_semaphore(%arg6 : memref<!tpu.dma_semaphore, #tpu.memory_space<semaphore_mem>>)
    %dma_wait3A_189 = arith.constant 0 : i32
    %dma_wait3A_190 = arith.constant 0 : i32
    %dma_wait3A_191 = arith.constant 0 : i32
    %dma_wait3A_192 = tpu.memref_slice %arg4[%dma_wait3A_189, %dma_wait3A_190, %dma_wait3A_191] : memref<2x256x128xf32, #tpu.memory_space<vmem>> -> memref<1x256x128xf32, #tpu.memory_space<vmem>>
    %dma_wait3A_193 = tpu.memref_squeeze %dma_wait3A_192 : memref<1x256x128xf32, #tpu.memory_space<vmem>> -> memref<256x128xf32, #tpu.memory_space<vmem>>
    %dma_wait3A_194 = arith.constant 0 : i32
    %dma_wait3A_195 = tpu.memref_slice %arg3[%add3A_24, %dma_wait3A_194] : memref<65536x128xf32, #tpu.memory_space<hbm>> -> memref<256x128xf32, #tpu.memory_space<hbm>>
    %dma_wait3A_196 = arith.constant 0 : i32
    %dma_wait3A_197 = tpu.memref_slice %arg3[%add3A_24, %dma_wait3A_196] : memref<65536x128xf32, #tpu.memory_space<hbm>> -> memref<256x128xf32, #tpu.memory_space<hbm>>
    %dma_wait3A_198 = arith.constant 0 : i32
    %dma_wait3A_199 = arith.constant 0 : i32
    %dma_wait3A_200 = tpu.memref_slice %arg4[%dma_wait3A_189, %dma_wait3A_198, %dma_wait3A_199] : memref<2x256x128xf32, #tpu.memory_space<vmem>> -> memref<1x256x128xf32, #tpu.memory_space<vmem>>
    %dma_wait3A_201 = tpu.memref_squeeze %dma_wait3A_200 : memref<1x256x128xf32, #tpu.memory_space<vmem>> -> memref<256x128xf32, #tpu.memory_space<vmem>>
    tpu.wait_dma2 semaphore(%arg6 : memref<!tpu.dma_semaphore, #tpu.memory_space<semaphore_mem>>) src(%dma_wait3A_201 : memref<256x128xf32, #tpu.memory_space<vmem>>) dst(%dma_wait3A_197 : memref<256x128xf32, #tpu.memory_space<hbm>>)
    %dma_start3A_202 = arith.constant 0 : i32
    %dma_start3A_203 = arith.constant 0 : i32
    %dma_start3A_204 = arith.constant 0 : i32
    %dma_start3A_205 = tpu.memref_slice %arg4[%dma_start3A_202, %dma_start3A_203, %dma_start3A_204] : memref<2x256x128xf32, #tpu.memory_space<vmem>> -> memref<1x256x128xf32, #tpu.memory_space<vmem>>
    %dma_start3A_206 = tpu.memref_squeeze %dma_start3A_205 : memref<1x256x128xf32, #tpu.memory_space<vmem>> -> memref<256x128xf32, #tpu.memory_space<vmem>>
    %dma_start3A_207 = arith.constant 0 : i32
    %dma_start3A_208 = tpu.memref_slice %arg2[%add3A_12, %dma_start3A_207] : memref<65536x128xf32, #tpu.memory_space<hbm>> -> memref<256x128xf32, #tpu.memory_space<hbm>>
    %dma_start3A_209 = arith.constant 0 : i32
    %dma_start3A_210 = arith.constant 0 : i32
    %dma_start3A_211 = tpu.memref_slice %arg4[%dma_start3A_202, %dma_start3A_209, %dma_start3A_210] : memref<2x256x128xf32, #tpu.memory_space<vmem>> -> memref<1x256x128xf32, #tpu.memory_space<vmem>>
    %dma_start3A_212 = tpu.memref_squeeze %dma_start3A_211 : memref<1x256x128xf32, #tpu.memory_space<vmem>> -> memref<256x128xf32, #tpu.memory_space<vmem>>
    %dma_start3A_213 = arith.constant 0 : i32
    %dma_start3A_214 = tpu.memref_slice %arg2[%add3A_12, %dma_start3A_213] : memref<65536x128xf32, #tpu.memory_space<hbm>> -> memref<256x128xf32, #tpu.memory_space<hbm>>
    tpu.enqueue_dma source(%dma_start3A_214 : memref<256x128xf32, #tpu.memory_space<hbm>>) target(%dma_start3A_212 : memref<256x128xf32, #tpu.memory_space<vmem>>) target_semaphore(%arg5 : memref<!tpu.dma_semaphore, #tpu.memory_space<semaphore_mem>>)
    %dma_wait3A_215 = arith.constant 1 : i32
    %dma_wait3A_216 = arith.constant 0 : i32
    %dma_wait3A_217 = arith.constant 0 : i32
    %dma_wait3A_218 = tpu.memref_slice %arg4[%dma_wait3A_215, %dma_wait3A_216, %dma_wait3A_217] : memref<2x256x128xf32, #tpu.memory_space<vmem>> -> memref<1x256x128xf32, #tpu.memory_space<vmem>>
    %dma_wait3A_219 = tpu.memref_squeeze %dma_wait3A_218 : memref<1x256x128xf32, #tpu.memory_space<vmem>> -> memref<256x128xf32, #tpu.memory_space<vmem>>
    %dma_wait3A_220 = arith.constant 0 : i32
    %dma_wait3A_221 = tpu.memref_slice %arg2[%add3A_10, %dma_wait3A_220] : memref<65536x128xf32, #tpu.memory_space<hbm>> -> memref<256x128xf32, #tpu.memory_space<hbm>>
    %dma_wait3A_222 = arith.constant 0 : i32
    %dma_wait3A_223 = arith.constant 0 : i32
    %dma_wait3A_224 = tpu.memref_slice %arg4[%dma_wait3A_215, %dma_wait3A_222, %dma_wait3A_223] : memref<2x256x128xf32, #tpu.memory_space<vmem>> -> memref<1x256x128xf32, #tpu.memory_space<vmem>>
    %dma_wait3A_225 = tpu.memref_squeeze %dma_wait3A_224 : memref<1x256x128xf32, #tpu.memory_space<vmem>> -> memref<256x128xf32, #tpu.memory_space<vmem>>
    %dma_wait3A_226 = arith.constant 0 : i32
    %dma_wait3A_227 = tpu.memref_slice %arg2[%add3A_10, %dma_wait3A_226] : memref<65536x128xf32, #tpu.memory_space<hbm>> -> memref<256x128xf32, #tpu.memory_space<hbm>>
    tpu.wait_dma2 semaphore(%arg5 : memref<!tpu.dma_semaphore, #tpu.memory_space<semaphore_mem>>) src(%dma_wait3A_227 : memref<256x128xf32, #tpu.memory_space<hbm>>) dst(%dma_wait3A_225 : memref<256x128xf32, #tpu.memory_space<vmem>>)
    %dma_start3A_228 = arith.constant 1 : i32
    %dma_start3A_229 = arith.constant 0 : i32
    %dma_start3A_230 = arith.constant 0 : i32
    %dma_start3A_231 = tpu.memref_slice %arg4[%dma_start3A_228, %dma_start3A_229, %dma_start3A_230] : memref<2x256x128xf32, #tpu.memory_space<vmem>> -> memref<1x256x128xf32, #tpu.memory_space<vmem>>
    %dma_start3A_232 = tpu.memref_squeeze %dma_start3A_231 : memref<1x256x128xf32, #tpu.memory_space<vmem>> -> memref<256x128xf32, #tpu.memory_space<vmem>>
    %dma_start3A_233 = arith.constant 0 : i32
    %dma_start3A_234 = tpu.memref_slice %arg3[%add3A_26, %dma_start3A_233] : memref<65536x128xf32, #tpu.memory_space<hbm>> -> memref<256x128xf32, #tpu.memory_space<hbm>>
    %dma_start3A_235 = arith.constant 0 : i32
    %dma_start3A_236 = tpu.memref_slice %arg3[%add3A_26, %dma_start3A_235] : memref<65536x128xf32, #tpu.memory_space<hbm>> -> memref<256x128xf32, #tpu.memory_space<hbm>>
    %dma_start3A_237 = arith.constant 0 : i32
    %dma_start3A_238 = arith.constant 0 : i32
    %dma_start3A_239 = tpu.memref_slice %arg4[%dma_start3A_228, %dma_start3A_237, %dma_start3A_238] : memref<2x256x128xf32, #tpu.memory_space<vmem>> -> memref<1x256x128xf32, #tpu.memory_space<vmem>>
    %dma_start3A_240 = tpu.memref_squeeze %dma_start3A_239 : memref<1x256x128xf32, #tpu.memory_space<vmem>> -> memref<256x128xf32, #tpu.memory_space<vmem>>
    tpu.enqueue_dma source(%dma_start3A_240 : memref<256x128xf32, #tpu.memory_space<vmem>>) target(%dma_start3A_236 : memref<256x128xf32, #tpu.memory_space<hbm>>) target_semaphore(%arg6 : memref<!tpu.dma_semaphore, #tpu.memory_space<semaphore_mem>>)
    %dma_wait3A_241 = arith.constant 1 : i32
    %dma_wait3A_242 = arith.constant 0 : i32
    %dma_wait3A_243 = arith.constant 0 : i32
    %dma_wait3A_244 = tpu.memref_slice %arg4[%dma_wait3A_241, %dma_wait3A_242, %dma_wait3A_243] : memref<2x256x128xf32, #tpu.memory_space<vmem>> -> memref<1x256x128xf32, #tpu.memory_space<vmem>>
    %dma_wait3A_245 = tpu.memref_squeeze %dma_wait3A_244 : memref<1x256x128xf32, #tpu.memory_space<vmem>> -> memref<256x128xf32, #tpu.memory_space<vmem>>
    %dma_wait3A_246 = arith.constant 0 : i32
    %dma_wait3A_247 = tpu.memref_slice %arg3[%add3A_26, %dma_wait3A_246] : memref<65536x128xf32, #tpu.memory_space<hbm>> -> memref<256x128xf32, #tpu.memory_space<hbm>>
    %dma_wait3A_248 = arith.constant 0 : i32
    %dma_wait3A_249 = tpu.memref_slice %arg3[%add3A_26, %dma_wait3A_248] : memref<65536x128xf32, #tpu.memory_space<hbm>> -> memref<256x128xf32, #tpu.memory_space<hbm>>
    %dma_wait3A_250 = arith.constant 0 : i32
    %dma_wait3A_251 = arith.constant 0 : i32
    %dma_wait3A_252 = tpu.memref_slice %arg4[%dma_wait3A_241, %dma_wait3A_250, %dma_wait3A_251] : memref<2x256x128xf32, #tpu.memory_space<vmem>> -> memref<1x256x128xf32, #tpu.memory_space<vmem>>
    %dma_wait3A_253 = tpu.memref_squeeze %dma_wait3A_252 : memref<1x256x128xf32, #tpu.memory_space<vmem>> -> memref<256x128xf32, #tpu.memory_space<vmem>>
    tpu.wait_dma2 semaphore(%arg6 : memref<!tpu.dma_semaphore, #tpu.memory_space<semaphore_mem>>) src(%dma_wait3A_253 : memref<256x128xf32, #tpu.memory_space<vmem>>) dst(%dma_wait3A_249 : memref<256x128xf32, #tpu.memory_space<hbm>>)
    %dma_start3A_254 = arith.constant 1 : i32
    %dma_start3A_255 = arith.constant 0 : i32
    %dma_start3A_256 = arith.constant 0 : i32
    %dma_start3A_257 = tpu.memref_slice %arg4[%dma_start3A_254, %dma_start3A_255, %dma_start3A_256] : memref<2x256x128xf32, #tpu.memory_space<vmem>> -> memref<1x256x128xf32, #tpu.memory_space<vmem>>
    %dma_start3A_258 = tpu.memref_squeeze %dma_start3A_257 : memref<1x256x128xf32, #tpu.memory_space<vmem>> -> memref<256x128xf32, #tpu.memory_space<vmem>>
    %dma_start3A_259 = arith.constant 0 : i32
    %dma_start3A_260 = tpu.memref_slice %arg2[%add3A_14, %dma_start3A_259] : memref<65536x128xf32, #tpu.memory_space<hbm>> -> memref<256x128xf32, #tpu.memory_space<hbm>>
    %dma_start3A_261 = arith.constant 0 : i32
    %dma_start3A_262 = arith.constant 0 : i32
    %dma_start3A_263 = tpu.memref_slice %arg4[%dma_start3A_254, %dma_start3A_261, %dma_start3A_262] : memref<2x256x128xf32, #tpu.memory_space<vmem>> -> memref<1x256x128xf32, #tpu.memory_space<vmem>>
    %dma_start3A_264 = tpu.memref_squeeze %dma_start3A_263 : memref<1x256x128xf32, #tpu.memory_space<vmem>> -> memref<256x128xf32, #tpu.memory_space<vmem>>
    %dma_start3A_265 = arith.constant 0 : i32
    %dma_start3A_266 = tpu.memref_slice %arg2[%add3A_14, %dma_start3A_265] : memref<65536x128xf32, #tpu.memory_space<hbm>> -> memref<256x128xf32, #tpu.memory_space<hbm>>
    tpu.enqueue_dma source(%dma_start3A_266 : memref<256x128xf32, #tpu.memory_space<hbm>>) target(%dma_start3A_264 : memref<256x128xf32, #tpu.memory_space<vmem>>) target_semaphore(%arg5 : memref<!tpu.dma_semaphore, #tpu.memory_space<semaphore_mem>>)
    %dma_wait3A_267 = arith.constant 0 : i32
    %dma_wait3A_268 = arith.constant 0 : i32
    %dma_wait3A_269 = arith.constant 0 : i32
    %dma_wait3A_270 = tpu.memref_slice %arg4[%dma_wait3A_267, %dma_wait3A_268, %dma_wait3A_269] : memref<2x256x128xf32, #tpu.memory_space<vmem>> -> memref<1x256x128xf32, #tpu.memory_space<vmem>>
    %dma_wait3A_271 = tpu.memref_squeeze %dma_wait3A_270 : memref<1x256x128xf32, #tpu.memory_space<vmem>> -> memref<256x128xf32, #tpu.memory_space<vmem>>
    %dma_wait3A_272 = arith.constant 0 : i32
    %dma_wait3A_273 = tpu.memref_slice %arg2[%add3A_12, %dma_wait3A_272] : memref<65536x128xf32, #tpu.memory_space<hbm>> -> memref<256x128xf32, #tpu.memory_space<hbm>>
    %dma_wait3A_274 = arith.constant 0 : i32
    %dma_wait3A_275 = arith.constant 0 : i32
    %dma_wait3A_276 = tpu.memref_slice %arg4[%dma_wait3A_267, %dma_wait3A_274, %dma_wait3A_275] : memref<2x256x128xf32, #tpu.memory_space<vmem>> -> memref<1x256x128xf32, #tpu.memory_space<vmem>>
    %dma_wait3A_277 = tpu.memref_squeeze %dma_wait3A_276 : memref<1x256x128xf32, #tpu.memory_space<vmem>> -> memref<256x128xf32, #tpu.memory_space<vmem>>
    %dma_wait3A_278 = arith.constant 0 : i32
    %dma_wait3A_279 = tpu.memref_slice %arg2[%add3A_12, %dma_wait3A_278] : memref<65536x128xf32, #tpu.memory_space<hbm>> -> memref<256x128xf32, #tpu.memory_space<hbm>>
    tpu.wait_dma2 semaphore(%arg5 : memref<!tpu.dma_semaphore, #tpu.memory_space<semaphore_mem>>) src(%dma_wait3A_279 : memref<256x128xf32, #tpu.memory_space<hbm>>) dst(%dma_wait3A_277 : memref<256x128xf32, #tpu.memory_space<vmem>>)
    %dma_start3A_280 = arith.constant 0 : i32
    %dma_start3A_281 = arith.constant 0 : i32
    %dma_start3A_282 = arith.constant 0 : i32
    %dma_start3A_283 = tpu.memref_slice %arg4[%dma_start3A_280, %dma_start3A_281, %dma_start3A_282] : memref<2x256x128xf32, #tpu.memory_space<vmem>> -> memref<1x256x128xf32, #tpu.memory_space<vmem>>
    %dma_start3A_284 = tpu.memref_squeeze %dma_start3A_283 : memref<1x256x128xf32, #tpu.memory_space<vmem>> -> memref<256x128xf32, #tpu.memory_space<vmem>>
    %dma_start3A_285 = arith.constant 0 : i32
    %dma_start3A_286 = tpu.memref_slice %arg3[%add3A_28, %dma_start3A_285] : memref<65536x128xf32, #tpu.memory_space<hbm>> -> memref<256x128xf32, #tpu.memory_space<hbm>>
    %dma_start3A_287 = arith.constant 0 : i32
    %dma_start3A_288 = tpu.memref_slice %arg3[%add3A_28, %dma_start3A_287] : memref<65536x128xf32, #tpu.memory_space<hbm>> -> memref<256x128xf32, #tpu.memory_space<hbm>>
    %dma_start3A_289 = arith.constant 0 : i32
    %dma_start3A_290 = arith.constant 0 : i32
    %dma_start3A_291 = tpu.memref_slice %arg4[%dma_start3A_280, %dma_start3A_289, %dma_start3A_290] : memref<2x256x128xf32, #tpu.memory_space<vmem>> -> memref<1x256x128xf32, #tpu.memory_space<vmem>>
    %dma_start3A_292 = tpu.memref_squeeze %dma_start3A_291 : memref<1x256x128xf32, #tpu.memory_space<vmem>> -> memref<256x128xf32, #tpu.memory_space<vmem>>
    tpu.enqueue_dma source(%dma_start3A_292 : memref<256x128xf32, #tpu.memory_space<vmem>>) target(%dma_start3A_288 : memref<256x128xf32, #tpu.memory_space<hbm>>) target_semaphore(%arg6 : memref<!tpu.dma_semaphore, #tpu.memory_space<semaphore_mem>>)
    %dma_wait3A_293 = arith.constant 0 : i32
    %dma_wait3A_294 = arith.constant 0 : i32
    %dma_wait3A_295 = arith.constant 0 : i32
    %dma_wait3A_296 = tpu.memref_slice %arg4[%dma_wait3A_293, %dma_wait3A_294, %dma_wait3A_295] : memref<2x256x128xf32, #tpu.memory_space<vmem>> -> memref<1x256x128xf32, #tpu.memory_space<vmem>>
    %dma_wait3A_297 = tpu.memref_squeeze %dma_wait3A_296 : memref<1x256x128xf32, #tpu.memory_space<vmem>> -> memref<256x128xf32, #tpu.memory_space<vmem>>
    %dma_wait3A_298 = arith.constant 0 : i32
    %dma_wait3A_299 = tpu.memref_slice %arg3[%add3A_28, %dma_wait3A_298] : memref<65536x128xf32, #tpu.memory_space<hbm>> -> memref<256x128xf32, #tpu.memory_space<hbm>>
    %dma_wait3A_300 = arith.constant 0 : i32
    %dma_wait3A_301 = tpu.memref_slice %arg3[%add3A_28, %dma_wait3A_300] : memref<65536x128xf32, #tpu.memory_space<hbm>> -> memref<256x128xf32, #tpu.memory_space<hbm>>
    %dma_wait3A_302 = arith.constant 0 : i32
    %dma_wait3A_303 = arith.constant 0 : i32
    %dma_wait3A_304 = tpu.memref_slice %arg4[%dma_wait3A_293, %dma_wait3A_302, %dma_wait3A_303] : memref<2x256x128xf32, #tpu.memory_space<vmem>> -> memref<1x256x128xf32, #tpu.memory_space<vmem>>
    %dma_wait3A_305 = tpu.memref_squeeze %dma_wait3A_304 : memref<1x256x128xf32, #tpu.memory_space<vmem>> -> memref<256x128xf32, #tpu.memory_space<vmem>>
    tpu.wait_dma2 semaphore(%arg6 : memref<!tpu.dma_semaphore, #tpu.memory_space<semaphore_mem>>) src(%dma_wait3A_305 : memref<256x128xf32, #tpu.memory_space<vmem>>) dst(%dma_wait3A_301 : memref<256x128xf32, #tpu.memory_space<hbm>>)
    %dma_start3A_306 = arith.constant 0 : i32
    %dma_start3A_307 = arith.constant 0 : i32
    %dma_start3A_308 = arith.constant 0 : i32
    %dma_start3A_309 = tpu.memref_slice %arg4[%dma_start3A_306, %dma_start3A_307, %dma_start3A_308] : memref<2x256x128xf32, #tpu.memory_space<vmem>> -> memref<1x256x128xf32, #tpu.memory_space<vmem>>
    %dma_start3A_310 = tpu.memref_squeeze %dma_start3A_309 : memref<1x256x128xf32, #tpu.memory_space<vmem>> -> memref<256x128xf32, #tpu.memory_space<vmem>>
    %dma_start3A_311 = arith.constant 0 : i32
    %dma_start3A_312 = tpu.memref_slice %arg2[%add3A_16, %dma_start3A_311] : memref<65536x128xf32, #tpu.memory_space<hbm>> -> memref<256x128xf32, #tpu.memory_space<hbm>>
    %dma_start3A_313 = arith.constant 0 : i32
    %dma_start3A_314 = arith.constant 0 : i32
    %dma_start3A_315 = tpu.memref_slice %arg4[%dma_start3A_306, %dma_start3A_313, %dma_start3A_314] : memref<2x256x128xf32, #tpu.memory_space<vmem>> -> memref<1x256x128xf32, #tpu.memory_space<vmem>>
    %dma_start3A_316 = tpu.memref_squeeze %dma_start3A_315 : memref<1x256x128xf32, #tpu.memory_space<vmem>> -> memref<256x128xf32, #tpu.memory_space<vmem>>
    %dma_start3A_317 = arith.constant 0 : i32
    %dma_start3A_318 = tpu.memref_slice %arg2[%add3A_16, %dma_start3A_317] : memref<65536x128xf32, #tpu.memory_space<hbm>> -> memref<256x128xf32, #tpu.memory_space<hbm>>
    tpu.enqueue_dma source(%dma_start3A_318 : memref<256x128xf32, #tpu.memory_space<hbm>>) target(%dma_start3A_316 : memref<256x128xf32, #tpu.memory_space<vmem>>) target_semaphore(%arg5 : memref<!tpu.dma_semaphore, #tpu.memory_space<semaphore_mem>>)
    %dma_wait3A_319 = arith.constant 1 : i32
    %dma_wait3A_320 = arith.constant 0 : i32
    %dma_wait3A_321 = arith.constant 0 : i32
    %dma_wait3A_322 = tpu.memref_slice %arg4[%dma_wait3A_319, %dma_wait3A_320, %dma_wait3A_321] : memref<2x256x128xf32, #tpu.memory_space<vmem>> -> memref<1x256x128xf32, #tpu.memory_space<vmem>>
    %dma_wait3A_323 = tpu.memref_squeeze %dma_wait3A_322 : memref<1x256x128xf32, #tpu.memory_space<vmem>> -> memref<256x128xf32, #tpu.memory_space<vmem>>
    %dma_wait3A_324 = arith.constant 0 : i32
    %dma_wait3A_325 = tpu.memref_slice %arg2[%add3A_14, %dma_wait3A_324] : memref<65536x128xf32, #tpu.memory_space<hbm>> -> memref<256x128xf32, #tpu.memory_space<hbm>>
    %dma_wait3A_326 = arith.constant 0 : i32
    %dma_wait3A_327 = arith.constant 0 : i32
    %dma_wait3A_328 = tpu.memref_slice %arg4[%dma_wait3A_319, %dma_wait3A_326, %dma_wait3A_327] : memref<2x256x128xf32, #tpu.memory_space<vmem>> -> memref<1x256x128xf32, #tpu.memory_space<vmem>>
    %dma_wait3A_329 = tpu.memref_squeeze %dma_wait3A_328 : memref<1x256x128xf32, #tpu.memory_space<vmem>> -> memref<256x128xf32, #tpu.memory_space<vmem>>
    %dma_wait3A_330 = arith.constant 0 : i32
    %dma_wait3A_331 = tpu.memref_slice %arg2[%add3A_14, %dma_wait3A_330] : memref<65536x128xf32, #tpu.memory_space<hbm>> -> memref<256x128xf32, #tpu.memory_space<hbm>>
    tpu.wait_dma2 semaphore(%arg5 : memref<!tpu.dma_semaphore, #tpu.memory_space<semaphore_mem>>) src(%dma_wait3A_331 : memref<256x128xf32, #tpu.memory_space<hbm>>) dst(%dma_wait3A_329 : memref<256x128xf32, #tpu.memory_space<vmem>>)
    %dma_start3A_332 = arith.constant 1 : i32
    %dma_start3A_333 = arith.constant 0 : i32
    %dma_start3A_334 = arith.constant 0 : i32
    %dma_start3A_335 = tpu.memref_slice %arg4[%dma_start3A_332, %dma_start3A_333, %dma_start3A_334] : memref<2x256x128xf32, #tpu.memory_space<vmem>> -> memref<1x256x128xf32, #tpu.memory_space<vmem>>
    %dma_start3A_336 = tpu.memref_squeeze %dma_start3A_335 : memref<1x256x128xf32, #tpu.memory_space<vmem>> -> memref<256x128xf32, #tpu.memory_space<vmem>>
    %dma_start3A_337 = arith.constant 0 : i32
    %dma_start3A_338 = tpu.memref_slice %arg3[%add3A_30, %dma_start3A_337] : memref<65536x128xf32, #tpu.memory_space<hbm>> -> memref<256x128xf32, #tpu.memory_space<hbm>>
    %dma_start3A_339 = arith.constant 0 : i32
    %dma_start3A_340 = tpu.memref_slice %arg3[%add3A_30, %dma_start3A_339] : memref<65536x128xf32, #tpu.memory_space<hbm>> -> memref<256x128xf32, #tpu.memory_space<hbm>>
    %dma_start3A_341 = arith.constant 0 : i32
    %dma_start3A_342 = arith.constant 0 : i32
    %dma_start3A_343 = tpu.memref_slice %arg4[%dma_start3A_332, %dma_start3A_341, %dma_start3A_342] : memref<2x256x128xf32, #tpu.memory_space<vmem>> -> memref<1x256x128xf32, #tpu.memory_space<vmem>>
    %dma_start3A_344 = tpu.memref_squeeze %dma_start3A_343 : memref<1x256x128xf32, #tpu.memory_space<vmem>> -> memref<256x128xf32, #tpu.memory_space<vmem>>
    tpu.enqueue_dma source(%dma_start3A_344 : memref<256x128xf32, #tpu.memory_space<vmem>>) target(%dma_start3A_340 : memref<256x128xf32, #tpu.memory_space<hbm>>) target_semaphore(%arg6 : memref<!tpu.dma_semaphore, #tpu.memory_space<semaphore_mem>>)
    %dma_wait3A_345 = arith.constant 1 : i32
    %dma_wait3A_346 = arith.constant 0 : i32
    %dma_wait3A_347 = arith.constant 0 : i32
    %dma_wait3A_348 = tpu.memref_slice %arg4[%dma_wait3A_345, %dma_wait3A_346, %dma_wait3A_347] : memref<2x256x128xf32, #tpu.memory_space<vmem>> -> memref<1x256x128xf32, #tpu.memory_space<vmem>>
    %dma_wait3A_349 = tpu.memref_squeeze %dma_wait3A_348 : memref<1x256x128xf32, #tpu.memory_space<vmem>> -> memref<256x128xf32, #tpu.memory_space<vmem>>
    %dma_wait3A_350 = arith.constant 0 : i32
    %dma_wait3A_351 = tpu.memref_slice %arg3[%add3A_30, %dma_wait3A_350] : memref<65536x128xf32, #tpu.memory_space<hbm>> -> memref<256x128xf32, #tpu.memory_space<hbm>>
    %dma_wait3A_352 = arith.constant 0 : i32
    %dma_wait3A_353 = tpu.memref_slice %arg3[%add3A_30, %dma_wait3A_352] : memref<65536x128xf32, #tpu.memory_space<hbm>> -> memref<256x128xf32, #tpu.memory_space<hbm>>
    %dma_wait3A_354 = arith.constant 0 : i32
    %dma_wait3A_355 = arith.constant 0 : i32
    %dma_wait3A_356 = tpu.memref_slice %arg4[%dma_wait3A_345, %dma_wait3A_354, %dma_wait3A_355] : memref<2x256x128xf32, #tpu.memory_space<vmem>> -> memref<1x256x128xf32, #tpu.memory_space<vmem>>
    %dma_wait3A_357 = tpu.memref_squeeze %dma_wait3A_356 : memref<1x256x128xf32, #tpu.memory_space<vmem>> -> memref<256x128xf32, #tpu.memory_space<vmem>>
    tpu.wait_dma2 semaphore(%arg6 : memref<!tpu.dma_semaphore, #tpu.memory_space<semaphore_mem>>) src(%dma_wait3A_357 : memref<256x128xf32, #tpu.memory_space<vmem>>) dst(%dma_wait3A_353 : memref<256x128xf32, #tpu.memory_space<hbm>>)
    %dma_start3A_358 = arith.constant 1 : i32
    %dma_start3A_359 = arith.constant 0 : i32
    %dma_start3A_360 = arith.constant 0 : i32
    %dma_start3A_361 = tpu.memref_slice %arg4[%dma_start3A_358, %dma_start3A_359, %dma_start3A_360] : memref<2x256x128xf32, #tpu.memory_space<vmem>> -> memref<1x256x128xf32, #tpu.memory_space<vmem>>
    %dma_start3A_362 = tpu.memref_squeeze %dma_start3A_361 : memref<1x256x128xf32, #tpu.memory_space<vmem>> -> memref<256x128xf32, #tpu.memory_space<vmem>>
    %dma_start3A_363 = arith.constant 0 : i32
    %dma_start3A_364 = tpu.memref_slice %arg2[%add3A_18, %dma_start3A_363] : memref<65536x128xf32, #tpu.memory_space<hbm>> -> memref<256x128xf32, #tpu.memory_space<hbm>>
    %dma_start3A_365 = arith.constant 0 : i32
    %dma_start3A_366 = arith.constant 0 : i32
    %dma_start3A_367 = tpu.memref_slice %arg4[%dma_start3A_358, %dma_start3A_365, %dma_start3A_366] : memref<2x256x128xf32, #tpu.memory_space<vmem>> -> memref<1x256x128xf32, #tpu.memory_space<vmem>>
    %dma_start3A_368 = tpu.memref_squeeze %dma_start3A_367 : memref<1x256x128xf32, #tpu.memory_space<vmem>> -> memref<256x128xf32, #tpu.memory_space<vmem>>
    %dma_start3A_369 = arith.constant 0 : i32
    %dma_start3A_370 = tpu.memref_slice %arg2[%add3A_18, %dma_start3A_369] : memref<65536x128xf32, #tpu.memory_space<hbm>> -> memref<256x128xf32, #tpu.memory_space<hbm>>
    tpu.enqueue_dma source(%dma_start3A_370 : memref<256x128xf32, #tpu.memory_space<hbm>>) target(%dma_start3A_368 : memref<256x128xf32, #tpu.memory_space<vmem>>) target_semaphore(%arg5 : memref<!tpu.dma_semaphore, #tpu.memory_space<semaphore_mem>>)
    %dma_wait3A_371 = arith.constant 0 : i32
    %dma_wait3A_372 = arith.constant 0 : i32
    %dma_wait3A_373 = arith.constant 0 : i32
    %dma_wait3A_374 = tpu.memref_slice %arg4[%dma_wait3A_371, %dma_wait3A_372, %dma_wait3A_373] : memref<2x256x128xf32, #tpu.memory_space<vmem>> -> memref<1x256x128xf32, #tpu.memory_space<vmem>>
    %dma_wait3A_375 = tpu.memref_squeeze %dma_wait3A_374 : memref<1x256x128xf32, #tpu.memory_space<vmem>> -> memref<256x128xf32, #tpu.memory_space<vmem>>
    %dma_wait3A_376 = arith.constant 0 : i32
    %dma_wait3A_377 = tpu.memref_slice %arg2[%add3A_16, %dma_wait3A_376] : memref<65536x128xf32, #tpu.memory_space<hbm>> -> memref<256x128xf32, #tpu.memory_space<hbm>>
    %dma_wait3A_378 = arith.constant 0 : i32
    %dma_wait3A_379 = arith.constant 0 : i32
    %dma_wait3A_380 = tpu.memref_slice %arg4[%dma_wait3A_371, %dma_wait3A_378, %dma_wait3A_379] : memref<2x256x128xf32, #tpu.memory_space<vmem>> -> memref<1x256x128xf32, #tpu.memory_space<vmem>>
    %dma_wait3A_381 = tpu.memref_squeeze %dma_wait3A_380 : memref<1x256x128xf32, #tpu.memory_space<vmem>> -> memref<256x128xf32, #tpu.memory_space<vmem>>
    %dma_wait3A_382 = arith.constant 0 : i32
    %dma_wait3A_383 = tpu.memref_slice %arg2[%add3A_16, %dma_wait3A_382] : memref<65536x128xf32, #tpu.memory_space<hbm>> -> memref<256x128xf32, #tpu.memory_space<hbm>>
    tpu.wait_dma2 semaphore(%arg5 : memref<!tpu.dma_semaphore, #tpu.memory_space<semaphore_mem>>) src(%dma_wait3A_383 : memref<256x128xf32, #tpu.memory_space<hbm>>) dst(%dma_wait3A_381 : memref<256x128xf32, #tpu.memory_space<vmem>>)
    %dma_start3A_384 = arith.constant 0 : i32
    %dma_start3A_385 = arith.constant 0 : i32
    %dma_start3A_386 = arith.constant 0 : i32
    %dma_start3A_387 = tpu.memref_slice %arg4[%dma_start3A_384, %dma_start3A_385, %dma_start3A_386] : memref<2x256x128xf32, #tpu.memory_space<vmem>> -> memref<1x256x128xf32, #tpu.memory_space<vmem>>
    %dma_start3A_388 = tpu.memref_squeeze %dma_start3A_387 : memref<1x256x128xf32, #tpu.memory_space<vmem>> -> memref<256x128xf32, #tpu.memory_space<vmem>>
    %dma_start3A_389 = arith.constant 0 : i32
    %dma_start3A_390 = tpu.memref_slice %arg3[%add3A_32, %dma_start3A_389] : memref<65536x128xf32, #tpu.memory_space<hbm>> -> memref<256x128xf32, #tpu.memory_space<hbm>>
    %dma_start3A_391 = arith.constant 0 : i32
    %dma_start3A_392 = tpu.memref_slice %arg3[%add3A_32, %dma_start3A_391] : memref<65536x128xf32, #tpu.memory_space<hbm>> -> memref<256x128xf32, #tpu.memory_space<hbm>>
    %dma_start3A_393 = arith.constant 0 : i32
    %dma_start3A_394 = arith.constant 0 : i32
    %dma_start3A_395 = tpu.memref_slice %arg4[%dma_start3A_384, %dma_start3A_393, %dma_start3A_394] : memref<2x256x128xf32, #tpu.memory_space<vmem>> -> memref<1x256x128xf32, #tpu.memory_space<vmem>>
    %dma_start3A_396 = tpu.memref_squeeze %dma_start3A_395 : memref<1x256x128xf32, #tpu.memory_space<vmem>> -> memref<256x128xf32, #tpu.memory_space<vmem>>
    tpu.enqueue_dma source(%dma_start3A_396 : memref<256x128xf32, #tpu.memory_space<vmem>>) target(%dma_start3A_392 : memref<256x128xf32, #tpu.memory_space<hbm>>) target_semaphore(%arg6 : memref<!tpu.dma_semaphore, #tpu.memory_space<semaphore_mem>>)
    %dma_wait3A_397 = arith.constant 1 : i32
    %dma_wait3A_398 = arith.constant 0 : i32
    %dma_wait3A_399 = arith.constant 0 : i32
    %dma_wait3A_400 = tpu.memref_slice %arg4[%dma_wait3A_397, %dma_wait3A_398, %dma_wait3A_399] : memref<2x256x128xf32, #tpu.memory_space<vmem>> -> memref<1x256x128xf32, #tpu.memory_space<vmem>>
    %dma_wait3A_401 = tpu.memref_squeeze %dma_wait3A_400 : memref<1x256x128xf32, #tpu.memory_space<vmem>> -> memref<256x128xf32, #tpu.memory_space<vmem>>
    %dma_wait3A_402 = arith.constant 0 : i32
    %dma_wait3A_403 = tpu.memref_slice %arg2[%add3A_18, %dma_wait3A_402] : memref<65536x128xf32, #tpu.memory_space<hbm>> -> memref<256x128xf32, #tpu.memory_space<hbm>>
    %dma_wait3A_404 = arith.constant 0 : i32
    %dma_wait3A_405 = arith.constant 0 : i32
    %dma_wait3A_406 = tpu.memref_slice %arg4[%dma_wait3A_397, %dma_wait3A_404, %dma_wait3A_405] : memref<2x256x128xf32, #tpu.memory_space<vmem>> -> memref<1x256x128xf32, #tpu.memory_space<vmem>>
    %dma_wait3A_407 = tpu.memref_squeeze %dma_wait3A_406 : memref<1x256x128xf32, #tpu.memory_space<vmem>> -> memref<256x128xf32, #tpu.memory_space<vmem>>
    %dma_wait3A_408 = arith.constant 0 : i32
    %dma_wait3A_409 = tpu.memref_slice %arg2[%add3A_18, %dma_wait3A_408] : memref<65536x128xf32, #tpu.memory_space<hbm>> -> memref<256x128xf32, #tpu.memory_space<hbm>>
    tpu.wait_dma2 semaphore(%arg5 : memref<!tpu.dma_semaphore, #tpu.memory_space<semaphore_mem>>) src(%dma_wait3A_409 : memref<256x128xf32, #tpu.memory_space<hbm>>) dst(%dma_wait3A_407 : memref<256x128xf32, #tpu.memory_space<vmem>>)
    %dma_start3A_410 = arith.constant 1 : i32
    %dma_start3A_411 = arith.constant 0 : i32
    %dma_start3A_412 = arith.constant 0 : i32
    %dma_start3A_413 = tpu.memref_slice %arg4[%dma_start3A_410, %dma_start3A_411, %dma_start3A_412] : memref<2x256x128xf32, #tpu.memory_space<vmem>> -> memref<1x256x128xf32, #tpu.memory_space<vmem>>
    %dma_start3A_414 = tpu.memref_squeeze %dma_start3A_413 : memref<1x256x128xf32, #tpu.memory_space<vmem>> -> memref<256x128xf32, #tpu.memory_space<vmem>>
    %dma_start3A_415 = arith.constant 0 : i32
    %dma_start3A_416 = tpu.memref_slice %arg3[%add3A_34, %dma_start3A_415] : memref<65536x128xf32, #tpu.memory_space<hbm>> -> memref<256x128xf32, #tpu.memory_space<hbm>>
    %dma_start3A_417 = arith.constant 0 : i32
    %dma_start3A_418 = tpu.memref_slice %arg3[%add3A_34, %dma_start3A_417] : memref<65536x128xf32, #tpu.memory_space<hbm>> -> memref<256x128xf32, #tpu.memory_space<hbm>>
    %dma_start3A_419 = arith.constant 0 : i32
    %dma_start3A_420 = arith.constant 0 : i32
    %dma_start3A_421 = tpu.memref_slice %arg4[%dma_start3A_410, %dma_start3A_419, %dma_start3A_420] : memref<2x256x128xf32, #tpu.memory_space<vmem>> -> memref<1x256x128xf32, #tpu.memory_space<vmem>>
    %dma_start3A_422 = tpu.memref_squeeze %dma_start3A_421 : memref<1x256x128xf32, #tpu.memory_space<vmem>> -> memref<256x128xf32, #tpu.memory_space<vmem>>
    tpu.enqueue_dma source(%dma_start3A_422 : memref<256x128xf32, #tpu.memory_space<vmem>>) target(%dma_start3A_418 : memref<256x128xf32, #tpu.memory_space<hbm>>) target_semaphore(%arg6 : memref<!tpu.dma_semaphore, #tpu.memory_space<semaphore_mem>>)
    %dma_wait3A_423 = arith.constant 0 : i32
    %dma_wait3A_424 = arith.constant 0 : i32
    %dma_wait3A_425 = arith.constant 0 : i32
    %dma_wait3A_426 = tpu.memref_slice %arg4[%dma_wait3A_423, %dma_wait3A_424, %dma_wait3A_425] : memref<2x256x128xf32, #tpu.memory_space<vmem>> -> memref<1x256x128xf32, #tpu.memory_space<vmem>>
    %dma_wait3A_427 = tpu.memref_squeeze %dma_wait3A_426 : memref<1x256x128xf32, #tpu.memory_space<vmem>> -> memref<256x128xf32, #tpu.memory_space<vmem>>
    %dma_wait3A_428 = arith.constant 0 : i32
    %dma_wait3A_429 = tpu.memref_slice %arg3[%add3A_32, %dma_wait3A_428] : memref<65536x128xf32, #tpu.memory_space<hbm>> -> memref<256x128xf32, #tpu.memory_space<hbm>>
    %dma_wait3A_430 = arith.constant 0 : i32
    %dma_wait3A_431 = tpu.memref_slice %arg3[%add3A_32, %dma_wait3A_430] : memref<65536x128xf32, #tpu.memory_space<hbm>> -> memref<256x128xf32, #tpu.memory_space<hbm>>
    %dma_wait3A_432 = arith.constant 0 : i32
    %dma_wait3A_433 = arith.constant 0 : i32
    %dma_wait3A_434 = tpu.memref_slice %arg4[%dma_wait3A_423, %dma_wait3A_432, %dma_wait3A_433] : memref<2x256x128xf32, #tpu.memory_space<vmem>> -> memref<1x256x128xf32, #tpu.memory_space<vmem>>
    %dma_wait3A_435 = tpu.memref_squeeze %dma_wait3A_434 : memref<1x256x128xf32, #tpu.memory_space<vmem>> -> memref<256x128xf32, #tpu.memory_space<vmem>>
    tpu.wait_dma2 semaphore(%arg6 : memref<!tpu.dma_semaphore, #tpu.memory_space<semaphore_mem>>) src(%dma_wait3A_435 : memref<256x128xf32, #tpu.memory_space<vmem>>) dst(%dma_wait3A_431 : memref<256x128xf32, #tpu.memory_space<hbm>>)
    %dma_wait3A_436 = arith.constant 1 : i32
    %dma_wait3A_437 = arith.constant 0 : i32
    %dma_wait3A_438 = arith.constant 0 : i32
    %dma_wait3A_439 = tpu.memref_slice %arg4[%dma_wait3A_436, %dma_wait3A_437, %dma_wait3A_438] : memref<2x256x128xf32, #tpu.memory_space<vmem>> -> memref<1x256x128xf32, #tpu.memory_space<vmem>>
    %dma_wait3A_440 = tpu.memref_squeeze %dma_wait3A_439 : memref<1x256x128xf32, #tpu.memory_space<vmem>> -> memref<256x128xf32, #tpu.memory_space<vmem>>
    %dma_wait3A_441 = arith.constant 0 : i32
    %dma_wait3A_442 = tpu.memref_slice %arg3[%add3A_34, %dma_wait3A_441] : memref<65536x128xf32, #tpu.memory_space<hbm>> -> memref<256x128xf32, #tpu.memory_space<hbm>>
    %dma_wait3A_443 = arith.constant 0 : i32
    %dma_wait3A_444 = tpu.memref_slice %arg3[%add3A_34, %dma_wait3A_443] : memref<65536x128xf32, #tpu.memory_space<hbm>> -> memref<256x128xf32, #tpu.memory_space<hbm>>
    %dma_wait3A_445 = arith.constant 0 : i32
    %dma_wait3A_446 = arith.constant 0 : i32
    %dma_wait3A_447 = tpu.memref_slice %arg4[%dma_wait3A_436, %dma_wait3A_445, %dma_wait3A_446] : memref<2x256x128xf32, #tpu.memory_space<vmem>> -> memref<1x256x128xf32, #tpu.memory_space<vmem>>
    %dma_wait3A_448 = tpu.memref_squeeze %dma_wait3A_447 : memref<1x256x128xf32, #tpu.memory_space<vmem>> -> memref<256x128xf32, #tpu.memory_space<vmem>>
    tpu.wait_dma2 semaphore(%arg6 : memref<!tpu.dma_semaphore, #tpu.memory_space<semaphore_mem>>) src(%dma_wait3A_448 : memref<256x128xf32, #tpu.memory_space<vmem>>) dst(%dma_wait3A_444 : memref<256x128xf32, #tpu.memory_space<hbm>>)
    return
  }
}

module attributes {stable_mosaic.version = 14 : i64} {
  func.func @_tc_copy_kernel(%arg0: i32, %arg1: memref<4x4096x128xf32, #tpu.memory_space<vmem>>, %arg2: memref<4x4096x128xf32, #tpu.memory_space<vmem>>) attributes {dimension_semantics = [#tpu.dimension_semantics<parallel>], iteration_bounds = array<i64: 4>, scalar_prefetch = 0 : i64, scratch_operands = 0 : i64, tpu.core_type = #tpu.core_type<tc>, window_params = [{transform_indices = @transform_0, window_bounds = array<i64: 4, 4096, 128>}, {transform_indices = @transform_1, window_bounds = array<i64: 4, 4096, 128>}]} {
    %get3A = arith.constant 0 : index
    %get3A_0 = arith.constant 0 : index
    %get3A_1 = arith.constant 0 : index
    %get3A_2 = vector.load %arg1[%get3A, %get3A_0, %get3A_1] : memref<4x4096x128xf32, #tpu.memory_space<vmem>>, vector<4x4096x128xf32>
    %swap3A = arith.constant 0 : index
    %swap3A_3 = arith.constant 0 : index
    %swap3A_4 = arith.constant 0 : index
    %swap3A_5 = vector.load %arg2[%swap3A, %swap3A_3, %swap3A_4] : memref<4x4096x128xf32, #tpu.memory_space<vmem>>, vector<4x4096x128xf32>
    tpu.vector_store %arg2[%swap3A, %swap3A_3, %swap3A_4], %get3A_2 {strides = array<i32>} : memref<4x4096x128xf32, #tpu.memory_space<vmem>>, vector<4x4096x128xf32>,
    return
  }
  func.func @transform_0(%arg0: i32) -> (i32, i32, i32) {
    %c0_i32 = arith.constant 0 : i32
    %c0_i32_0 = arith.constant 0 : i32
    %c0_i32_1 = arith.constant 0 : i32
    return %arg0, %c0_i32, %c0_i32_0 : i32, i32, i32
  }
  func.func @transform_1(%arg0: i32) -> (i32, i32, i32) {
    %c0_i32 = arith.constant 0 : i32
    %c0_i32_0 = arith.constant 0 : i32
    %c0_i32_1 = arith.constant 0 : i32
    return %arg0, %c0_i32, %c0_i32_0 : i32, i32, i32
  }
}

</mosaic_0001>

<sc_bundles>
// kernel: kernel.4.cloned.1.call-start
scs
__scs_entry_jumppad:
0x0: {  	(pc) =	sbr.rel $0x88, $3  }
0x1: {  	(tag) =	ssettag $0x0;
	lr =	simm.s32 $0x1  }
0x2: {  	[smem:$0x3FA0] =	sst lr;
	_ =	strace $0xD0000000  }
0x3: {  	_ = 	snop  }
0x4: {  	_ = 	snop  }
0x5: {  	_ = 	snop  }
0x6: {  	_ = 	snop  }
0x7: {  	_ = 	snop  }
__scs_overlays_trampoline_lowered:
0x8: {  	[smem:$0x3FAF] =	sst s0  }
0x9: {  	[smem:$0x3FB0] =	sst s1  }
0xa: {  	[smem:$0x3FB1] =	sst s2  }
0xb: {  	[smem:$0x3FB2] =	sst s3  }
0xc: {  	[smem:$0x3FB3] =	sst s4  }
0xd: {  	[smem:$0x3FB4] =	sst s5  }
0xe: {  	[smem:$0x3FB5] =	sst s6  }
0xf: {  	[smem:$0x3FB6] =	sst s7  }
0x10: {  	[smem:$0x3FB7] =	sst s8  }
0x11: {  	[smem:$0x3FB8] =	sst s9;
	s0 =	simm.s32 @!p0 $0x0  }
0x12: {  	s1 =	sld [smem:$0x3F9E];
	s0 =	simm.s32 @p0 $0x1  }
0x13: {  	[smem:$0x3FB9] =	sst s0;
	s0 =	simm.s32 @!p1 $0x0  }
0x14: {  	s2 =	sld [smem:$0x3F9D];
	s0 =	simm.s32 @p1 $0x1  }
0x15: {  	[smem:$0x3FBA] =	sst s0;
	s0 =	simm.s32 @!p2 $0x0  }
0x16: {  	s3 =	sld [smem:$0x3FDB];
	s0 =	simm.s32 @p2 $0x1  }
0x17: {  	s4 =	simm.s32 $0x1BF5;
	[smem:$0x3FBC] =	sst s0  }
0x18: {  	s0 =	sld [smem:$0x3F9F];
	_ =	swait.ge [sflag:s4], $0x0  }
0x19: {  	s7 =	sld [smem:$0x3FA0]  }
0x1a: {  	s8 =	sadd.s32 $0xFFFFE003, lr  }
0x1b: {  	s9 =	sadd.s32 $0xFFFFFEF7, lr;
	s5 =	simm.s32 $0xFFFFFFFF;
	p2 =	slt.u32 s8, $0xFFFFF086  }
0x1c: {  	p1 =	slt.u32 s9, $0xF7A;
	s5 =	simm.s32 @!p2 $0x0  }
0x1d: {  	s5 =	simm.s32 @p1 $0x1;
	p0 =	seq.s32 s7, s2  }
0x1e: {  	s7 =	smul.u32 @!p0 $0xF7A, s2;
	p2 =	seq.s32 @!p0 s5, $0x0  }
0x1f: {  	s9 =	smul.u32 $0xF7A, s1;
	s8 =	simm.s32 @!p0 $0x1BF5;
	p2 =	por !p2, p0  }
0x20: {  	[sflag:s8] =	ssyncset.s32 @!p0 $0xFFFFF086;
	s6 =	sadd.s32 @!p0 s3, s7;
	s7 =	simm.s32 @!p0 $0x108  }
0x21: {  	s3 =	sadd.s32 s3, s9;
	s6 =	sadd.s32 @!p0 $0x88, s6;
	s7 =	simm.s32 @p2 $0x1082  }
0x22: {  	[simem:s7], [sflag:s8] =	dma.local @!p0 [hbm:s6], $0xF7A  }
0x23: {  	s9 =	sor.u32 $0xD0000000, s2;
	s6 =	simm.s32 $0x108;
	_ =	swait.ge @!p0 [sflag:s8], $0x0  }
0x24: {  	s3 =	sadd.s32 $0x88, s3;
	s6 =	simm.s32 @!p1 $0x1082;
	[sflag:s4] =	ssyncset.s32 $0xFFFFF086  }
0x25: {  	[simem:s6], [sflag:s4] =	dma.local [hbm:s3], $0xF7A  }
0x26: {  	[smem:$0x3FA0] =	sst s1;
	(tag) =	ssettag s2;
	_ =	strace s9  }
0x27: {  	s1 =	sld [smem:$0x3FB0]  }
0x28: {  	s2 =	sld [smem:$0x3FB1]  }
0x29: {  	s4 =	sld [smem:$0x3FB3]  }
0x2a: {  	p0 =	seq.s32 s5, $0x0;
	s5 =	sld [smem:$0x3FB4]  }
0x2b: {  	s6 =	sld [smem:$0x3FB5]  }
0x2c: {  	s7 =	sld [smem:$0x3FB6]  }
0x2d: {  	s3 =	simm.s32 $0x108;
	s8 =	sld [smem:$0x3FB7]  }
0x2e: {  	s3 =	simm.s32 @!p0 $0x1082;
	s9 =	sld [smem:$0x3FB8]  }
0x2f: {  	lr =	sadd.s32 s0, s3;
	s0 =	sld [smem:$0x3FAF]  }
0x30: {  	s3 =	sld [smem:$0x3FB2]  }
0x31: {  	[smem:$0x3FBB] =	sst s10  }
0x32: {  	s10 =	sld [smem:$0x3FB9];
	_ =	sdelay $0x3  }
0x33: {  	p0 =	seq.s32 s10, $0x1;
	s10 =	sld [smem:$0x3FBB];
	_ =	sdelay $0x3  }
0x34: {  	[smem:$0x3FBB] =	sst s10  }
0x35: {  	s10 =	sld [smem:$0x3FBA];
	_ =	sdelay $0x3  }
0x36: {  	p1 =	seq.s32 s10, $0x1;
	s10 =	sld [smem:$0x3FBB];
	_ =	sdelay $0x3  }
0x37: {  	[smem:$0x3FBB] =	sst s10  }
0x38: {  	s10 =	sld [smem:$0x3FBC]  }
0x39: {  	_ = 	snop;
	(pc) =	sbr.ind lr, $3  }
0x3a: {  	_ = 	snop  }
0x3b: {  	_ = 	snop  }
0x3c: {  	p2 =	seq.s32 s10, $0x1;
	s10 =	sld [smem:$0x3FBB]  }
0x3d: {  	_ =	shalt  }
0x3e: {  	_ =	shalt  }
0x3f: {  	_ =	shalt  }
0x40: {  	_ =	shalt  }
0x41: {  	_ =	shalt  }
0x42: {  	_ =	shalt  }
0x43: {  	_ =	shalt  }
0x44: {  	_ =	shalt  }
0x45: {  	_ =	shalt  }
0x46: {  	_ =	shalt  }
0x47: {  	_ =	shalt  }
0x48: {  	_ =	shalt  }
0x49: {  	_ =	shalt  }
0x4a: {  	_ =	shalt  }
0x4b: {  	_ =	shalt  }
0x4c: {  	_ =	shalt  }
0x4d: {  	_ =	shalt  }
0x4e: {  	_ =	shalt  }
0x4f: {  	_ =	shalt  }
0x50: {  	_ =	shalt  }
0x51: {  	_ =	shalt  }
0x52: {  	_ =	shalt  }
0x53: {  	_ =	shalt  }
0x54: {  	_ =	shalt  }
0x55: {  	_ =	shalt  }
0x56: {  	_ =	shalt  }
0x57: {  	_ =	shalt  }
0x58: {  	_ =	shalt  }
0x59: {  	_ =	shalt  }
0x5a: {  	_ =	shalt  }
0x5b: {  	_ =	shalt  }
0x5c: {  	_ =	shalt  }
0x5d: {  	_ =	shalt  }
0x5e: {  	_ =	shalt  }
0x5f: {  	_ =	shalt  }
0x60: {  	_ =	shalt  }
0x61: {  	_ =	shalt  }
0x62: {  	_ =	shalt  }
0x63: {  	_ =	shalt  }
0x64: {  	_ =	shalt  }
0x65: {  	_ =	shalt  }
0x66: {  	_ =	shalt  }
0x67: {  	_ =	shalt  }
0x68: {  	_ =	shalt  }
0x69: {  	_ =	shalt  }
0x6a: {  	_ =	shalt  }
0x6b: {  	_ =	shalt  }
0x6c: {  	_ =	shalt  }
0x6d: {  	_ =	shalt  }
0x6e: {  	_ =	shalt  }
0x6f: {  	_ =	shalt  }
0x70: {  	_ =	shalt  }
0x71: {  	_ =	shalt  }
0x72: {  	_ =	shalt  }
0x73: {  	_ =	shalt  }
0x74: {  	_ =	shalt  }
0x75: {  	_ =	shalt  }
0x76: {  	_ =	shalt  }
0x77: {  	_ =	shalt  }
0x78: {  	_ =	shalt  }
0x79: {  	_ =	shalt  }
0x7a: {  	_ =	shalt  }
0x7b: {  	_ =	shalt  }
0x7c: {  	_ =	shalt  }
0x7d: {  	_ =	shalt  }
0x7e: {  	_ =	shalt  }
0x7f: {  	_ =	shalt  }
0x80: {  	_ =	shalt  }
0x81: {  	_ =	shalt  }
0x82: {  	_ =	shalt  }
0x83: {  	_ =	shalt  }
0x84: {  	_ =	shalt  }
0x85: {  	_ =	shalt  }
0x86: {  	_ =	shalt  }
0x87: {  	_ =	shalt  }
.Lfunc_end0:
.L_simem_size_0:
called_computation_lowered:
.L_overlay_start_0:
0x88: {  	s2 =	sld [smem:$0x3FD9]  }
0x89: {  	s3 =	sld [smem:$0x3FFE];
	_ =	sdelay $0x1  }
0x8a: {  	s1 =	srdreg.scid  }
0x8b: {  	s0 =	sand.u32 $0x1, s1  }
0x8c: {  	s15 =	sshll.u32 s0, $0xA;
	s2 =	sadd.s32 s3, s2  }
0x8d: {  	s2 =	sadd.s32 s2, s15  }
0x8e: {  	[smem:$0x3FC7] =	sst s2  }
0x8f: {  	_ = 	snop  }
0x90: {  	s2 =	sld [smem:$0x3FD0];
	_ =	sdelay $0x2  }
0x91: {  	s4 =	simm.s32 $0xA;
	s5 =	simm.s32 $0x10;
	s16 =	sld [smem:$0x3FC9]  }
0x92: {  	[smem:s5], [sflag:s4] =	dma.local [hbm:s2], $0x1  }
0x93: {  	_ =	swait.eq [sflag:s4], $0x1  }
0x94: {  	[sflag:s4] =	ssyncset.done $0x0  }
0x95: {  	[sflag:s4] =	ssyncadd.s32 $0xFFFFFFFF  }
0x96: {  	s17 =	sld [smem:$0x11];
	(tm) =	ssettm $0x1  }
0x97: {  	s18 =	sld [smem:$0x3FFB];
	_ =	sdelay $0x3  }
0x98: {  	_ =	strace s18  }
0x99: {  	s4 =	sld [smem:$0x3FFC];
	_ =	sdelay $0x3  }
0x9a: {  	_ =	strace s4  }
0x9b: {  	s4 =	sld [smem:$0x3FFD];
	_ =	sdelay $0x3  }
0x9c: {  	_ =	strace s4  }
0x9d: {  	_ =	strace $0x8FFFFFFF  }
0x9e: {  	s19 =	sld [smem:$0x3FDB];
	_ =	sdelay $0x1  }
0x9f: {  	s20 =	simm.s32 $_scs_section_size  }
0xa0: {  	s6 =	simm.s32 $_size__tile_overlayer_lowered;
	s7 =	simm.s32 $_tile_overlayer_lowered  }
0xa1: {  	s23 =	simm.s32 $0x1BFF;
	s22 =	sshll.u32 s7, $0x1;
	s4 =	sadd.s32 s20, s19  }
0xa2: {  	s8 =	simm.s32 $0x0;
	s21 =	sshll.u32 s6, $0x1;
	s6 =	sadd.s32 s22, s4  }
0xa3: {  	[timem:s8], [sflag:s23] =	dma.local [hbm:s6], s21  }
0xa4: {  	_ =	swait.ge [sflag:s23], s21  }
0xa5: {  	s5 =	ssub.s32 $0x0, s21;
	[sflag:s23] =	ssyncset.done $0x0  }
0xa6: {  	[sflag:s23] =	ssyncadd.s32 s5;
	_ =	sdelay $0x1  }
0xa7: {  	s24 =	simm.s32 $0x1B8B  }
0xa8: {  	_ =	swait.ge [sflag:s24], $0x1  }
0xa9: {  	[sflag:s24] =	ssyncset.done $0x0  }
0xaa: {  	s25 =	simm.s32 $0x1B8E;
	[sflag:s24] =	ssyncadd.s32 $0xFFFFFFFF  }
0xab: {  	s26 =	simm.s32 $execute0_lowered;
	[smem:$0x3FD2] =	sst s25  }
0xac: {  	s5 =	sshll.u32 s26, $0x1;
	_ =	strace $0x80000046;
	[dreg:$0x1] =	wrdreg $0xFFFFFFFF  }
0xad: {  	s28 =	simm.s32 $_size_execute0_lowered;
	s4 =	sadd.s32 s4, s5;
	[dreg:$0x0] =	wrdreg $0x0  }
0xae: {  	s5 =	sshll.u32 s28, $0x1;
	[dreg:$0x2] =	wrdreg s4  }
0xaf: {  	[dreg:$0x3] =	wrdreg s5  }
0xb0: {  	[dreg:$0x4] =	wrdreg $0xC0  }
0xb1: {  	_ =	task [dreg:s8], $0x5FFFF  }
0xb2: {  	[dreg:$0x1] =	wrdreg $0xFFFFFFFF  }
0xb3: {  	[dreg:$0x0] =	wrdreg $0x60  }
0xb4: {  	[dreg:$0x2] =	wrdreg s16  }
0xb5: {  	[dreg:$0x3] =	wrdreg s17  }
0xb6: {  	[dreg:$0x4] =	wrdreg $0x9  }
0xb7: {  	_ =	task.clear_ibuf [dreg:s8], $0x5FFFF;
	_ =	strace $0x90000046  }
0xb8: {  	s29 =	simm.s32 $0x9;
	_ =	strace $0x80000048  }
0xb9: {  	_ =	swait.ge [sflag:s29], $0x1  }
0xba: {  	[sflag:s29] =	ssyncadd.s32 $0xFFFFFFFF  }
0xbb: {  	_ =	strace $0x90000048  }
0xbc: {  	_ =	sfence  }
0xbd: {  	s30 =	sld [smem:$0x0];
	_ =	sdelay $0x2  }
0xbe: {  	s31 =	sshll.u32 s1, $0xD;
	s1 =	sshrl.u32 s1, $0x2  }
0xbf: {  	s3 =	sand.u32 $0x4000, s31;
	s1 =	sadd.s32 s1, s30  }
0xc0: {  	s0 =	sor.u32 s3, s0;
	s1 =	sshll.u32 s1, $0x11  }
0xc1: {  	s0 =	sor.u32 s1, s0  }
0xc2: {  	s0 =	sadd.s32 $0x8F2B, s0  }
0xc3: {  	[sflag:s0] =	ssyncadd.remote.s32 $0x1  }
0xc4: {  	_ =	sfence.sel $0xFFFF  }
0xc5: {  	[dreg:$0x0] =	wrdreg $0xFFFFFFFF;
	(pc) =	sbr.abs _section_cstart, $3  }
0xc6: {  	[dreg:$0x1] =	wrdreg $0xFFFFFFFF  }
0xc7: {  	_ =	task.clear_ibuf [dreg:s8], $0x2FFFF;
	_ =	strace $0x9FFFFFFF  }
0xc8: {  	(tm) =	ssettm $0x7FFFFFFF  }
0xc9: {  	_ =	shalt  }
tec
execute0_lowered:
.L_overlay_start_1:
0x0: {  	(tag) =	ssettag $0x1  }
0x1: {  	s19 =	rddreg [dreg:$0x0]  }
0x2: {  	s21 =	rddreg [dreg:$0x1];
	s2 =	srdreg.scid  }
0x3: {  	s0 =	rddreg [dreg:$0x2];
	s1 =	stileid.u32;
	s22 =	sand.u32 $0x1, s2  }
0x4: {  	s2 =	simm.s32 $0x0;
	s3 =	sshll.u32 s1, $0x10;
	s4 =	sshll.u32 s22, $0xF  }
0x5: {  	[smem:$0x7FF] =	sst s2;
	s20 =	sor.u32 s4, s3  }
0x6: {  	_ =	strace $0x80000047;
	s3 =	sadd.s32 s19, s20;
	s10 =	sor.u32 $0x1000, s20  }
0x7: {  	[tilespmem:s2], [sflag:$0x1] =	stream.linear.gather [hbm4b:s3+s2], $0x8000, $0x38;
	[tilespmem:$0x10000] =	vst v63  }
0x8: {  	s5 =	simm.s32 $0x8000;
	s6 =	simm.s32 $0x1;
	s4 =	sadd.s32 s19, s10  }
0x9: {  	[tilespmem:s5], [sflag:$0x1] =	stream.linear.gather [hbm4b:s4+s2], $0x8000, $0x38;
	[tilespmem:$0x10000] =	vst v63  }
0xa: {  	_ =	swait.ge [sflag:s6], $0x8000  }
0xb: {  	[sflag:s6] =	ssyncset.done $0x0  }
0xc: {  	s7 =	simm.s32 $0x2;
	s8 =	sadd.s32 s21, s20;
	[sflag:s6] =	ssyncadd.s32 $0xFFFF8000  }
0xd: {  	[hbm4b:s8+s2] =	stream.linear.scatter [tilespmem:s2], [sflag:$0x2], $0x8000, $0x38;
	[tilespmem:$0x10000] =	vst v63  }
0xe: {  	_ =	swait.ge [sflag:s7], $0x8000  }
0xf: {  	s12 =	sor.u32 $0x2000, s20;
	[sflag:s7] =	ssyncset.done $0x0  }
0x10: {  	s9 =	sadd.s32 s19, s12;
	[sflag:s7] =	ssyncadd.s32 $0xFFFF8000  }
0x11: {  	[tilespmem:s2], [sflag:$0x1] =	stream.linear.gather [hbm4b:s9+s2], $0x8000, $0x38;
	[tilespmem:$0x10000] =	vst v63  }
0x12: {  	_ =	swait.ge [sflag:s6], $0x8000  }
0x13: {  	[sflag:s6] =	ssyncset.done $0x0  }
0x14: {  	s10 =	sadd.s32 s21, s10;
	[sflag:s6] =	ssyncadd.s32 $0xFFFF8000  }
0x15: {  	[hbm4b:s10+s2] =	stream.linear.scatter [tilespmem:s5], [sflag:$0x2], $0x8000, $0x38;
	[tilespmem:$0x10000] =	vst v63  }
0x16: {  	_ =	swait.ge [sflag:s7], $0x8000  }
0x17: {  	s14 =	sor.u32 $0x3000, s20;
	[sflag:s7] =	ssyncset.done $0x0  }
0x18: {  	s11 =	sadd.s32 s19, s14;
	[sflag:s7] =	ssyncadd.s32 $0xFFFF8000  }
0x19: {  	[tilespmem:s5], [sflag:$0x1] =	stream.linear.gather [hbm4b:s11+s2], $0x8000, $0x38;
	[tilespmem:$0x10000] =	vst v63  }
0x1a: {  	_ =	swait.ge [sflag:s6], $0x8000  }
0x1b: {  	[sflag:s6] =	ssyncset.done $0x0  }
0x1c: {  	s12 =	sadd.s32 s21, s12;
	[sflag:s6] =	ssyncadd.s32 $0xFFFF8000  }
0x1d: {  	[hbm4b:s12+s2] =	stream.linear.scatter [tilespmem:s2], [sflag:$0x2], $0x8000, $0x38;
	[tilespmem:$0x10000] =	vst v63  }
0x1e: {  	_ =	swait.ge [sflag:s7], $0x8000  }
0x1f: {  	s16 =	sor.u32 $0x4000, s20;
	[sflag:s7] =	ssyncset.done $0x0  }
0x20: {  	s13 =	sadd.s32 s19, s16;
	[sflag:s7] =	ssyncadd.s32 $0xFFFF8000  }
0x21: {  	[tilespmem:s2], [sflag:$0x1] =	stream.linear.gather [hbm4b:s13+s2], $0x8000, $0x38;
	[tilespmem:$0x10000] =	vst v63  }
0x22: {  	_ =	swait.ge [sflag:s6], $0x8000  }
0x23: {  	[sflag:s6] =	ssyncset.done $0x0  }
0x24: {  	s14 =	sadd.s32 s21, s14;
	[sflag:s6] =	ssyncadd.s32 $0xFFFF8000  }
0x25: {  	[hbm4b:s14+s2] =	stream.linear.scatter [tilespmem:s5], [sflag:$0x2], $0x8000, $0x38;
	[tilespmem:$0x10000] =	vst v63  }
0x26: {  	_ =	swait.ge [sflag:s7], $0x8000  }
0x27: {  	s18 =	sor.u32 $0x5000, s20;
	[sflag:s7] =	ssyncset.done $0x0  }
0x28: {  	s15 =	sadd.s32 s19, s18;
	[sflag:s7] =	ssyncadd.s32 $0xFFFF8000  }
0x29: {  	[tilespmem:s5], [sflag:$0x1] =	stream.linear.gather [hbm4b:s15+s2], $0x8000, $0x38;
	[tilespmem:$0x10000] =	vst v63  }
0x2a: {  	_ =	swait.ge [sflag:s6], $0x8000  }
0x2b: {  	[sflag:s6] =	ssyncset.done $0x0  }
0x2c: {  	s16 =	sadd.s32 s21, s16;
	[sflag:s6] =	ssyncadd.s32 $0xFFFF8000  }
0x2d: {  	[hbm4b:s16+s2] =	stream.linear.scatter [tilespmem:s2], [sflag:$0x2], $0x8000, $0x38;
	[tilespmem:$0x10000] =	vst v63  }
0x2e: {  	_ =	swait.ge [sflag:s7], $0x8000  }
0x2f: {  	s23 =	sor.u32 $0x6000, s20;
	[sflag:s7] =	ssyncset.done $0x0  }
0x30: {  	s17 =	sadd.s32 s19, s23;
	[sflag:s7] =	ssyncadd.s32 $0xFFFF8000  }
0x31: {  	[tilespmem:s2], [sflag:$0x1] =	stream.linear.gather [hbm4b:s17+s2], $0x8000, $0x38;
	[tilespmem:$0x10000] =	vst v63  }
0x32: {  	_ =	swait.ge [sflag:s6], $0x8000  }
0x33: {  	[sflag:s6] =	ssyncset.done $0x0  }
0x34: {  	s18 =	sadd.s32 s21, s18;
	[sflag:s6] =	ssyncadd.s32 $0xFFFF8000  }
0x35: {  	[hbm4b:s18+s2] =	stream.linear.scatter [tilespmem:s5], [sflag:$0x2], $0x8000, $0x38;
	[tilespmem:$0x10000] =	vst v63  }
0x36: {  	_ =	swait.ge [sflag:s7], $0x8000  }
0x37: {  	s24 =	sor.u32 $0x7000, s20;
	[sflag:s7] =	ssyncset.done $0x0  }
0x38: {  	s19 =	sadd.s32 s19, s24;
	[sflag:s7] =	ssyncadd.s32 $0xFFFF8000  }
0x39: {  	[tilespmem:s5], [sflag:$0x1] =	stream.linear.gather [hbm4b:s19+s2], $0x8000, $0x38;
	[tilespmem:$0x10000] =	vst v63  }
0x3a: {  	_ =	swait.ge [sflag:s6], $0x8000  }
0x3b: {  	s22 =	ssub.s32 $0x2, s22;
	[sflag:s6] =	ssyncset.done $0x0  }
0x3c: {  	s31 =	sshrl.u32 s22, $0x1;
	s20 =	sadd.s32 s21, s23;
	[sflag:s6] =	ssyncadd.s32 $0xFFFF8000  }
0x3d: {  	[hbm4b:s20+s2] =	stream.linear.scatter [tilespmem:s2], [sflag:$0x2], $0x8000, $0x38;
	[tilespmem:$0x10000] =	vst v63  }
0x3e: {  	s22 =	ssub.s32 s22, s31;
	_ =	swait.ge [sflag:s6], $0x8000  }
0x3f: {  	s22 =	smax.u32 s22, $0x1;
	[sflag:s6] =	ssyncset.done $0x0  }
0x40: {  	s21 =	sadd.s32 s21, s24;
	p0 =	sne.s32 s22, $0x1;
	[sflag:s6] =	ssyncadd.s32 $0xFFFF8000  }
0x41: {  	[hbm4b:s21+s2] =	stream.linear.scatter [tilespmem:s5], [sflag:$0x2], $0x8000, $0x38;
	[tilespmem:$0x10000] =	vst v63  }
.Ltmp0:
0x42: {  	_ =	swait.ge [sflag:s7], $0x8000;
	(pc) =	sbr.rel @!p0 .LBB2_2-.Ltmp0, $4  }
0x43: {  	[sflag:s7] =	ssyncset.done $0x0  }
0x44: {  	[sflag:s7] =	ssyncadd.s32 $0xFFFF8000  }
0x45: {  	_ =	swait.ge [sflag:s7], $0x8000  }
0x46: {  	s22 =	sadd.s32 $0xFFFFFFFF, s22;
	[sflag:s7] =	ssyncset.done $0x0  }
.LBB2_1:
0x47: {  	p0 =	sne.s32 s22, $0x1;
	s22 =	sadd.s32 $0xFFFFFFFF, s22;
	[sflag:s7] =	ssyncadd.s32 $0xFFFF8000  }
0x48: {  	[tilespmem:s2], [sflag:$0x1] =	stream.linear.gather [hbm4b:s3+s2], $0x8000, $0x38;
	[tilespmem:$0x10000] =	vst v63  }
0x49: {  	_ = 	snop  }
0x4a: {  	[tilespmem:s5], [sflag:$0x1] =	stream.linear.gather [hbm4b:s4+s2], $0x8000, $0x38;
	[tilespmem:$0x10000] =	vst v63  }
0x4b: {  	_ =	swait.ge [sflag:s6], $0x8000  }
0x4c: {  	[sflag:s6] =	ssyncset.done $0x0  }
0x4d: {  	[sflag:s6] =	ssyncadd.s32 $0xFFFF8000  }
0x4e: {  	[hbm4b:s8+s2] =	stream.linear.scatter [tilespmem:s2], [sflag:$0x2], $0x8000, $0x38;
	[tilespmem:$0x10000] =	vst v63  }
0x4f: {  	_ =	swait.ge [sflag:s7], $0x8000  }
0x50: {  	[sflag:s7] =	ssyncset.done $0x0  }
0x51: {  	[sflag:s7] =	ssyncadd.s32 $0xFFFF8000  }
0x52: {  	[tilespmem:s2], [sflag:$0x1] =	stream.linear.gather [hbm4b:s9+s2], $0x8000, $0x38;
	[tilespmem:$0x10000] =	vst v63  }
0x53: {  	_ =	swait.ge [sflag:s6], $0x8000  }
0x54: {  	[sflag:s6] =	ssyncset.done $0x0  }
0x55: {  	[sflag:s6] =	ssyncadd.s32 $0xFFFF8000  }
0x56: {  	[hbm4b:s10+s2] =	stream.linear.scatter [tilespmem:s5], [sflag:$0x2], $0x8000, $0x38;
	[tilespmem:$0x10000] =	vst v63  }
0x57: {  	_ =	swait.ge [sflag:s7], $0x8000  }
0x58: {  	[sflag:s7] =	ssyncset.done $0x0  }
0x59: {  	[sflag:s7] =	ssyncadd.s32 $0xFFFF8000  }
0x5a: {  	[tilespmem:s5], [sflag:$0x1] =	stream.linear.gather [hbm4b:s11+s2], $0x8000, $0x38;
	[tilespmem:$0x10000] =	vst v63  }
0x5b: {  	_ =	swait.ge [sflag:s6], $0x8000  }
0x5c: {  	[sflag:s6] =	ssyncset.done $0x0  }
0x5d: {  	[sflag:s6] =	ssyncadd.s32 $0xFFFF8000  }
0x5e: {  	[hbm4b:s12+s2] =	stream.linear.scatter [tilespmem:s2], [sflag:$0x2], $0x8000, $0x38;
	[tilespmem:$0x10000] =	vst v63  }
0x5f: {  	_ =	swait.ge [sflag:s7], $0x8000  }
0x60: {  	[sflag:s7] =	ssyncset.done $0x0  }
0x61: {  	[sflag:s7] =	ssyncadd.s32 $0xFFFF8000  }
0x62: {  	[tilespmem:s2], [sflag:$0x1] =	stream.linear.gather [hbm4b:s13+s2], $0x8000, $0x38;
	[tilespmem:$0x10000] =	vst v63  }
0x63: {  	_ =	swait.ge [sflag:s6], $0x8000  }
0x64: {  	[sflag:s6] =	ssyncset.done $0x0  }
0x65: {  	[sflag:s6] =	ssyncadd.s32 $0xFFFF8000  }
0x66: {  	[hbm4b:s14+s2] =	stream.linear.scatter [tilespmem:s5], [sflag:$0x2], $0x8000, $0x38;
	[tilespmem:$0x10000] =	vst v63  }
0x67: {  	_ =	swait.ge [sflag:s7], $0x8000  }
0x68: {  	[sflag:s7] =	ssyncset.done $0x0  }
0x69: {  	[sflag:s7] =	ssyncadd.s32 $0xFFFF8000  }
0x6a: {  	[tilespmem:s5], [sflag:$0x1] =	stream.linear.gather [hbm4b:s15+s2], $0x8000, $0x38;
	[tilespmem:$0x10000] =	vst v63  }
0x6b: {  	_ =	swait.ge [sflag:s6], $0x8000  }
0x6c: {  	[sflag:s6] =	ssyncset.done $0x0  }
0x6d: {  	[sflag:s6] =	ssyncadd.s32 $0xFFFF8000  }
0x6e: {  	[hbm4b:s16+s2] =	stream.linear.scatter [tilespmem:s2], [sflag:$0x2], $0x8000, $0x38;
	[tilespmem:$0x10000] =	vst v63  }
0x6f: {  	_ =	swait.ge [sflag:s7], $0x8000  }
0x70: {  	[sflag:s7] =	ssyncset.done $0x0  }
0x71: {  	[sflag:s7] =	ssyncadd.s32 $0xFFFF8000  }
0x72: {  	[tilespmem:s2], [sflag:$0x1] =	stream.linear.gather [hbm4b:s17+s2], $0x8000, $0x38;
	[tilespmem:$0x10000] =	vst v63  }
0x73: {  	_ =	swait.ge [sflag:s6], $0x8000  }
0x74: {  	[sflag:s6] =	ssyncset.done $0x0  }
0x75: {  	[sflag:s6] =	ssyncadd.s32 $0xFFFF8000  }
0x76: {  	[hbm4b:s18+s2] =	stream.linear.scatter [tilespmem:s5], [sflag:$0x2], $0x8000, $0x38;
	[tilespmem:$0x10000] =	vst v63  }
0x77: {  	_ =	swait.ge [sflag:s7], $0x8000  }
0x78: {  	[sflag:s7] =	ssyncset.done $0x0  }
0x79: {  	[sflag:s7] =	ssyncadd.s32 $0xFFFF8000  }
0x7a: {  	[tilespmem:s5], [sflag:$0x1] =	stream.linear.gather [hbm4b:s19+s2], $0x8000, $0x38;
	[tilespmem:$0x10000] =	vst v63  }
0x7b: {  	_ =	swait.ge [sflag:s6], $0x8000  }
0x7c: {  	[sflag:s6] =	ssyncset.done $0x0  }
0x7d: {  	[sflag:s6] =	ssyncadd.s32 $0xFFFF8000  }
0x7e: {  	[hbm4b:s20+s2] =	stream.linear.scatter [tilespmem:s2], [sflag:$0x2], $0x8000, $0x38;
	[tilespmem:$0x10000] =	vst v63  }
0x7f: {  	_ =	swait.ge [sflag:s6], $0x8000  }
0x80: {  	[sflag:s6] =	ssyncset.done $0x0  }
0x81: {  	[sflag:s6] =	ssyncadd.s32 $0xFFFF8000  }
0x82: {  	[hbm4b:s21+s2] =	stream.linear.scatter [tilespmem:s5], [sflag:$0x2], $0x8000, $0x38;
	[tilespmem:$0x10000] =	vst v63  }
.Ltmp1:
0x83: {  	_ =	swait.ge [sflag:s7], $0x8000;
	(pc) =	sbr.rel @p0 .LBB2_1-.Ltmp1, $4  }
0x84: {  	[sflag:s7] =	ssyncset.done $0x0  }
0x85: {  	[sflag:s7] =	ssyncadd.s32 $0xFFFF8000  }
0x86: {  	_ =	swait.ge [sflag:s7], $0x8000  }
0x87: {  	[sflag:s7] =	ssyncset.done $0x0  }
.LBB2_2:
0x88: {  	[sflag:s7] =	ssyncadd.s32 $0xFFFF8000  }
0x89: {  	_ =	sfence.sel $0x180000  }
0x8a: {  	[bflag:$0x0] =	sbarrier.arrive $0xFFFF  }
0x8b: {  	p0 =	sne.s32 s1, $0x0;
	_ =	strace $0x90000047  }
0x8c: {  	s0 =	sadd.s32 @!p0 $0x100000, s0;
	[bflag:$0x2] =	sbarrier.arrive $0xFFFF  }
0x8d: {  	[sflag:s0] =	ssyncadd.tile.s32 @!p0 $0x1;
	_ =	shalt  }
.Lfunc_end2:
_tile_overlayer_lowered:
.L_overlay_start_2:
0x8e: {  	(tag) =	ssettag $0x2  }
0x8f: {  	s0 =	rddreg [dreg:$0x0];
	s2 =	stileid.u32  }
0x90: {  	s1 =	rddreg [dreg:$0x1];
	p0 =	sne.s32 s2, $0x0  }
0x91: {  	s3 =	rddreg [dreg:$0x2];
	[bflag:$0x3] =	sbarrier.arrive $0xFFFF;
	s2 =	simm.s32 @!p0 $0x1C03  }
0x92: {  	[timem:s3], [sflag:s2] =	dma.local @!p0 [hbm:s0], s1  }
0x93: {  	s0 =	simm.s32 @!p0 $0x3  }
0x94: {  	_ =	swait.ge @!p0 [sflag:s0], s1  }
0x95: {  	s1 =	ssub.s32 @!p0 $0x0, s1;
	[sflag:s0] =	ssyncset.done @!p0 $0x0  }
0x96: {  	[sflag:s0] =	ssyncadd.s32 @!p0 s1  }
0x97: {  	[bflag:$0x3] =	sbarrier.arrive $0xFFFF  }
0x98: {  	_ =	shalt  }

</sc_bundles>
